<compile_context>
chip_gen: v7x
topology: tpu7x:2x2x1
jax: 0.10.2.dev20260603
libtpu: 0.0.44.dev20260713+nightly
codegen_flags: <defaults>
</compile_context>

<pallas_src>
import functools

import jax
import jax.numpy as jnp
from jax import lax
from jax.experimental import pallas as pl
from jax.experimental.pallas import tpu as pltpu
from jax.experimental.pallas import tpu_sc as plsc

N_EDGES = 320000
N_NODES = 10000
D = 128

E = 512
G = 128
GP = G + 8
CROWS = N_NODES + G + 16
SENT = CROWS - 1

NC = 2
NS = 16
NW = NC * NS
ROWS_PER_W = 384
CHUNK = 128
NCHUNK = ROWS_PER_W // CHUNK
BPAD = NW * ROWS_PER_W

_LOG2 = 0.6931471805599453
_BF16 = jnp.bfloat16


def _ssp(x):
    return jax.nn.softplus(x) - _LOG2


def _split(x):
    hi = x.astype(_BF16)
    lo = (x - hi.astype(jnp.float32)).astype(_BF16)
    return hi, lo


def _dot16(a, b):
    return jnp.dot(a, b, preferred_element_type=jnp.float32)


def _mm3(x, wh, wl):
    xh, xl = _split(x)
    return _dot16(xh, wh) + (_dot16(xh, wl) + _dot16(xl, wh))


def _mlp_compact_body(starts_ref, rg_ref, seg_ref, x_ref, w1h_ref, w1l_ref,
                      b1_ref, w2h_ref, w2l_ref, b2_ref, out_ref, uid_ref):
    b = pl.program_id(0)

    @pl.when(b == 0)
    def _init():
        out_ref[...] = jnp.zeros_like(out_ref)
        uid_ref[...] = jnp.zeros_like(uid_ref)

    h = _ssp(_mm3(x_ref[...], w1h_ref[...], w1l_ref[...]) + b1_ref[...])
    w = _ssp(_mm3(h, w2h_ref[...], w2l_ref[...]) + b2_ref[...])
    wh, wl = _split(w)

    nsub = E // G
    for j in range(nsub):
        sv = starts_ref[b * nsub + j]
        s = sv >> 1
        own0 = sv & 1
        s_al = (s // 8) * 8
        rloc = rg_ref[0, 0, j * G:(j + 1) * G] - s_al
        k_iota = lax.broadcasted_iota(jnp.int32, (GP, G), 0)
        pb = k_iota == rloc[None, :]
        p = jnp.where(pb, 1.0, 0.0).astype(_BF16)
        local = _dot16(p, wh[j * G:(j + 1) * G]) + \
            _dot16(p, wl[j * G:(j + 1) * G])
        out_ref[pl.ds(s_al, GP), :] += local
        segv = seg_ref[0, 0, j * G:(j + 1) * G]
        masked = jnp.where(pb, segv[None, :], -1)
        uidmax = jnp.max(masked, axis=1, keepdims=True)
        uidb = jnp.broadcast_to(uidmax, (GP, G))
        rloc0 = s - s_al
        own = (k_iota > rloc0) | ((k_iota == rloc0) & (own0 == 1))
        contrib = jnp.where(own, jnp.maximum(uidb + 1, 0), 0)
        uid_ref[pl.ds(s_al, GP), :] += contrib


def _mlp_compact(starts2, rg3, seg3, dijk, w1h, w1l, b1, w2h, w2l, b2):
    nb = N_EDGES // E
    grid_spec = pltpu.PrefetchScalarGridSpec(
        num_scalar_prefetch=1,
        grid=(nb,),
        in_specs=[
            pl.BlockSpec((1, 1, E), lambda b, *_: (b, 0, 0)),
            pl.BlockSpec((1, 1, E), lambda b, *_: (b, 0, 0)),
            pl.BlockSpec((E, D), lambda b, *_: (b, 0)),
            pl.BlockSpec((D, D), lambda b, *_: (0, 0)),
            pl.BlockSpec((D, D), lambda b, *_: (0, 0)),
            pl.BlockSpec((1, D), lambda b, *_: (0, 0)),
            pl.BlockSpec((D, D), lambda b, *_: (0, 0)),
            pl.BlockSpec((D, D), lambda b, *_: (0, 0)),
            pl.BlockSpec((1, D), lambda b, *_: (0, 0)),
        ],
        out_specs=[
            pl.BlockSpec((CROWS, D), lambda b, *_: (0, 0)),
            pl.BlockSpec((CROWS, D), lambda b, *_: (0, 0)),
        ],
    )
    return pl.pallas_call(
        _mlp_compact_body,
        grid_spec=grid_spec,
        out_shape=[
            jax.ShapeDtypeStruct((CROWS, D), jnp.float32),
            jax.ShapeDtypeStruct((CROWS, D), jnp.int32),
        ],
    )(starts2, rg3, seg3, dijk, w1h, w1l, b1, w2h, w2l, b2)


def _gather_body(table_hbm, idx_hbm, out_hbm, idx_v, rows_v, sem):
    wid = lax.axis_index("s") * NC + lax.axis_index("c")
    pltpu.sync_copy(idx_hbm.at[wid], idx_v)
    copies = [
        pltpu.async_copy(table_hbm.at[idx_v.at[j]],
                         rows_v.at[pl.ds(j * CHUNK, CHUNK)], sem)
        for j in range(NCHUNK)
    ]
    for c in copies:
        c.wait()
    pltpu.sync_copy(rows_v, out_hbm.at[pl.ds(wid * ROWS_PER_W, ROWS_PER_W)])


def _sc_gather(table, idx3):
    mesh = plsc.VectorSubcoreMesh(core_axis_name="c", subcore_axis_name="s")
    return pl.kernel(
        _gather_body,
        out_type=jax.ShapeDtypeStruct((BPAD, D), jnp.float32),
        mesh=mesh,
        scratch_types=[
            pltpu.VMEM((NCHUNK, CHUNK), jnp.int32),
            pltpu.VMEM((ROWS_PER_W, D), jnp.float32),
            pltpu.SemaphoreType.DMA,
        ],
    )(table, idx3)


def kernel(dijk, seg_j, W1, b1, W2, b2):
    seg = seg_j.astype(jnp.int32)
    flags = jnp.concatenate(
        [jnp.zeros((1,), jnp.int32),
         (seg[1:] != seg[:-1]).astype(jnp.int32)])
    rg = jnp.cumsum(flags, dtype=jnp.int32)
    starts = rg[::G]
    prev_last = jnp.concatenate([jnp.full((1,), -1, jnp.int32),
                                 rg[G - 1::G][:-1]])
    starts2 = starts * 2 + (prev_last != starts).astype(jnp.int32)
    rg3 = rg.reshape(N_EDGES // E, 1, E)
    seg3 = seg.reshape(N_EDGES // E, 1, E)

    w1h, w1l = _split(W1)
    w2h, w2l = _split(W2)
    compact, uid = _mlp_compact(starts2, rg3, seg3, dijk, w1h, w1l,
                                b1.reshape(1, D), w2h, w2l, b2.reshape(1, D))

    uid_col = uid[:, 0] - 1
    uid_tgt = jnp.where(uid_col >= 0, uid_col, BPAD - 1)
    ar = jnp.arange(BPAD, dtype=jnp.int32)
    idx = jnp.where(ar < N_NODES, SENT, ar % SENT)
    idx = idx.at[uid_tgt].set(jnp.arange(CROWS, dtype=jnp.int32))
    idx3 = idx.reshape(NW, NCHUNK, CHUNK)

    outp = _sc_gather(compact, idx3)
    return outp[:N_NODES]

# --- scband reference (transcript-rebuilt; emitter-appended) ---
"""Pipeline reference for scband-cfnet-filter-38826504356689 (READ-ONLY COPY).

The authoritative reference and input builder live on the scoring server;
editing this copy changes nothing except your own understanding.
"""

import jax, jax.numpy as jnp
import numpy as np

N_EDGES = 320000
N_NODES = 10000
D_IN = 128
D_FILT = 128


def shifted_softplus(x):
    return jax.nn.softplus(x) - jnp.log(2.0)


def setup_inputs(seed: int = 0) -> dict:
    key = jax.random.key(seed)
    k_d, k_s, k_w1, k_b1, k_w2, k_b2 = jax.random.split(key, 6)
    dijk = jax.random.normal(k_d, (N_EDGES, D_IN), dtype=jnp.float32)
    seg_j = jnp.sort(jax.random.randint(k_s, (N_EDGES,), 0, N_NODES, dtype=jnp.int64))
    # Dense layer parameters (nn.Linear-style): W [in, out], b [out]
    W1 = jax.random.normal(k_w1, (D_IN, D_FILT), dtype=jnp.float32) * (1.0 / np.sqrt(D_IN))
    b1 = jax.random.normal(k_b1, (D_FILT,), dtype=jnp.float32) * 0.01
    W2 = jax.random.normal(k_w2, (D_FILT, D_FILT), dtype=jnp.float32) * (1.0 / np.sqrt(D_FILT))
    b2 = jax.random.normal(k_b2, (D_FILT,), dtype=jnp.float32) * 0.01
    return {"dijk": dijk, "seg_j": seg_j, "W1": W1, "b1": b1, "W2": W2, "b2": b2}


def reference(dijk, seg_j, W1, b1, W2, b2):
    # dense1: Linear + shifted_softplus
    h = shifted_softplus(jnp.dot(dijk, W1) + b1)
    # dense2: Linear + shifted_softplus
    w_ijk = shifted_softplus(jnp.dot(h, W2) + b2)
    # PoolSegments('sum'): segment-sum edge messages into per-node outputs
    w_ij = jax.ops.segment_sum(w_ijk, seg_j, num_segments=N_NODES)
    return w_ij

if __name__ == "__main__":
    import jax
    _d = setup_inputs()
    print(jax.jit(kernel)(*tuple(_d.values())))

</pallas_src>

<mosaic_0001>
#map = affine_map<(d0, d1) -> (0, 0)>
#map1 = affine_map<(d0, d1) -> (0, 0, 0)>
module attributes {stable_mosaic.version = 14 : i64} {
  func.func @_gather_body(%arg0: i32, %arg1: i32, %arg2: memref<10144x128xf32, #tpu.memory_space<hbm>>, %arg3: memref<32x3x128xi32, #tpu.memory_space<hbm>>, %arg4: memref<12288x128xf32, #tpu.memory_space<hbm>>, %arg5: memref<3x128xi32, #tpu.memory_space<vmem>>, %arg6: memref<384x128xf32, #tpu.memory_space<vmem>>, %arg7: memref<!tpu.dma_semaphore, #tpu.memory_space<semaphore_mem>>) attributes {dimension_semantics = [#tpu.dimension_semantics<core_parallel>, #tpu.dimension_semantics<subcore_parallel>], iteration_bounds = array<i64: 2, 16>, scalar_prefetch = 0 : i64, scratch_operands = 3 : i64, tpu.core_type = #tpu.core_type<sc_vector_subcore>, window_params = [{transform_indices = #map}, {transform_indices = #map1}, {transform_indices = #map}]} {
    %mul3A = arith.constant 2 : i32
    %mul3A_0 = arith.muli %arg1, %mul3A : i32
    %add3A = arith.addi %mul3A_0, %arg0 : i32
    "tpu.region"() ({
      %run_scoped3A = tpu.sem_alloc : memref<!tpu.dma_semaphore, #tpu.memory_space<semaphore_mem>>
      %dma_start3A_61 = arith.constant 0 : i32
      %dma_start3A_62 = arith.constant 0 : i32
      %dma_start3A_63 = tpu.memref_slice %arg3[%add3A, %dma_start3A_61, %dma_start3A_62] : memref<32x3x128xi32, #tpu.memory_space<hbm>> -> memref<1x3x128xi32, #tpu.memory_space<hbm>>
      %dma_start3A_64 = tpu.memref_squeeze %dma_start3A_63 : memref<1x3x128xi32, #tpu.memory_space<hbm>> -> memref<3x128xi32, #tpu.memory_space<hbm>>
      %dma_start3A_65 = arith.constant 0 : i32
      %dma_start3A_66 = arith.constant 0 : i32
      %dma_start3A_67 = tpu.memref_slice %arg3[%add3A, %dma_start3A_65, %dma_start3A_66] : memref<32x3x128xi32, #tpu.memory_space<hbm>> -> memref<1x3x128xi32, #tpu.memory_space<hbm>>
      %dma_start3A_68 = tpu.memref_squeeze %dma_start3A_67 : memref<1x3x128xi32, #tpu.memory_space<hbm>> -> memref<3x128xi32, #tpu.memory_space<hbm>>
      tpu.enqueue_dma source(%dma_start3A_68 : memref<3x128xi32, #tpu.memory_space<hbm>>) target(%arg5 : memref<3x128xi32, #tpu.memory_space<vmem>>) target_semaphore(%run_scoped3A : memref<!tpu.dma_semaphore, #tpu.memory_space<semaphore_mem>>)
      %dma_wait3A_69 = arith.constant 0 : i32
      %dma_wait3A_70 = arith.constant 0 : i32
      %dma_wait3A_71 = tpu.memref_slice %arg3[%add3A, %dma_wait3A_69, %dma_wait3A_70] : memref<32x3x128xi32, #tpu.memory_space<hbm>> -> memref<1x3x128xi32, #tpu.memory_space<hbm>>
      %dma_wait3A_72 = tpu.memref_squeeze %dma_wait3A_71 : memref<1x3x128xi32, #tpu.memory_space<hbm>> -> memref<3x128xi32, #tpu.memory_space<hbm>>
      %dma_wait3A_73 = arith.constant 0 : i32
      %dma_wait3A_74 = arith.constant 0 : i32
      %dma_wait3A_75 = tpu.memref_slice %arg3[%add3A, %dma_wait3A_73, %dma_wait3A_74] : memref<32x3x128xi32, #tpu.memory_space<hbm>> -> memref<1x3x128xi32, #tpu.memory_space<hbm>>
      %dma_wait3A_76 = tpu.memref_squeeze %dma_wait3A_75 : memref<1x3x128xi32, #tpu.memory_space<hbm>> -> memref<3x128xi32, #tpu.memory_space<hbm>>
      tpu.wait_dma2 semaphore(%run_scoped3A : memref<!tpu.dma_semaphore, #tpu.memory_space<semaphore_mem>>) src(%dma_wait3A_76 : memref<3x128xi32, #tpu.memory_space<hbm>>) dst(%arg5 : memref<3x128xi32, #tpu.memory_space<vmem>>)
      tpu.yield
    }) : () -> ()
    %dma_start3A = arith.constant 0 : i32
    %dma_start3A_1 = arith.constant 0 : i32
    %dma_start3A_2 = arith.constant 0 : i32
    %dma_start3A_3 = tpu.memref_slice %arg6[%dma_start3A_1, %dma_start3A_2] : memref<384x128xf32, #tpu.memory_space<vmem>> -> memref<128x128xf32, #tpu.memory_space<vmem>>
    %dma_start3A_4 = arith.constant 0 : i32
    %dma_start3A_5 = tpu.memref_slice %arg5[%dma_start3A, %dma_start3A_4] : memref<3x128xi32, #tpu.memory_space<vmem>> -> memref<1x128xi32, #tpu.memory_space<vmem>>
    %dma_start3A_6 = tpu.memref_squeeze %dma_start3A_5 : memref<1x128xi32, #tpu.memory_space<vmem>> -> memref<128xi32, #tpu.memory_space<vmem>>
    %dma_start3A_7 = arith.constant 0 : i32
    %dma_start3A_8 = arith.constant 0 : i32
    %dma_start3A_9 = tpu.memref_slice %arg2[%dma_start3A_7, %dma_start3A_8] : memref<10144x128xf32, #tpu.memory_space<hbm>> -> memref<10144x128xf32, #tpu.memory_space<hbm>>
    tpu.enqueue_indirect_dma source(%dma_start3A_9 : memref<10144x128xf32, #tpu.memory_space<hbm>>) target(%dma_start3A_3 : memref<128x128xf32, #tpu.memory_space<vmem>>) offsets(%dma_start3A_6 : memref<128xi32, #tpu.memory_space<vmem>>) semaphore(%arg7 : memref<!tpu.dma_semaphore, #tpu.memory_space<semaphore_mem>>)
    %dma_start3A_10 = arith.constant 1 : i32
    %dma_start3A_11 = arith.constant 128 : i32
    %dma_start3A_12 = arith.constant 0 : i32
    %dma_start3A_13 = tpu.memref_slice %arg6[%dma_start3A_11, %dma_start3A_12] : memref<384x128xf32, #tpu.memory_space<vmem>> -> memref<128x128xf32, #tpu.memory_space<vmem>>
    %dma_start3A_14 = arith.constant 0 : i32
    %dma_start3A_15 = tpu.memref_slice %arg5[%dma_start3A_10, %dma_start3A_14] : memref<3x128xi32, #tpu.memory_space<vmem>> -> memref<1x128xi32, #tpu.memory_space<vmem>>
    %dma_start3A_16 = tpu.memref_squeeze %dma_start3A_15 : memref<1x128xi32, #tpu.memory_space<vmem>> -> memref<128xi32, #tpu.memory_space<vmem>>
    %dma_start3A_17 = arith.constant 0 : i32
    %dma_start3A_18 = arith.constant 0 : i32
    %dma_start3A_19 = tpu.memref_slice %arg2[%dma_start3A_17, %dma_start3A_18] : memref<10144x128xf32, #tpu.memory_space<hbm>> -> memref<10144x128xf32, #tpu.memory_space<hbm>>
    tpu.enqueue_indirect_dma source(%dma_start3A_19 : memref<10144x128xf32, #tpu.memory_space<hbm>>) target(%dma_start3A_13 : memref<128x128xf32, #tpu.memory_space<vmem>>) offsets(%dma_start3A_16 : memref<128xi32, #tpu.memory_space<vmem>>) semaphore(%arg7 : memref<!tpu.dma_semaphore, #tpu.memory_space<semaphore_mem>>)
    %dma_start3A_20 = arith.constant 2 : i32
    %dma_start3A_21 = arith.constant 256 : i32
    %dma_start3A_22 = arith.constant 0 : i32
    %dma_start3A_23 = tpu.memref_slice %arg6[%dma_start3A_21, %dma_start3A_22] : memref<384x128xf32, #tpu.memory_space<vmem>> -> memref<128x128xf32, #tpu.memory_space<vmem>>
    %dma_start3A_24 = arith.constant 0 : i32
    %dma_start3A_25 = tpu.memref_slice %arg5[%dma_start3A_20, %dma_start3A_24] : memref<3x128xi32, #tpu.memory_space<vmem>> -> memref<1x128xi32, #tpu.memory_space<vmem>>
    %dma_start3A_26 = tpu.memref_squeeze %dma_start3A_25 : memref<1x128xi32, #tpu.memory_space<vmem>> -> memref<128xi32, #tpu.memory_space<vmem>>
    %dma_start3A_27 = arith.constant 0 : i32
    %dma_start3A_28 = arith.constant 0 : i32
    %dma_start3A_29 = tpu.memref_slice %arg2[%dma_start3A_27, %dma_start3A_28] : memref<10144x128xf32, #tpu.memory_space<hbm>> -> memref<10144x128xf32, #tpu.memory_space<hbm>>
    tpu.enqueue_indirect_dma source(%dma_start3A_29 : memref<10144x128xf32, #tpu.memory_space<hbm>>) target(%dma_start3A_23 : memref<128x128xf32, #tpu.memory_space<vmem>>) offsets(%dma_start3A_26 : memref<128xi32, #tpu.memory_space<vmem>>) semaphore(%arg7 : memref<!tpu.dma_semaphore, #tpu.memory_space<semaphore_mem>>)
    %dma_wait3A = arith.constant 0 : i32
    %dma_wait3A_30 = arith.constant 0 : i32
    %dma_wait3A_31 = arith.constant 0 : i32
    %dma_wait3A_32 = tpu.memref_slice %arg6[%dma_wait3A_30, %dma_wait3A_31] : memref<384x128xf32, #tpu.memory_space<vmem>> -> memref<128x128xf32, #tpu.memory_space<vmem>>
    %dma_wait3A_33 = arith.constant 0 : i32
    %dma_wait3A_34 = tpu.memref_slice %arg5[%dma_wait3A, %dma_wait3A_33] : memref<3x128xi32, #tpu.memory_space<vmem>> -> memref<1x128xi32, #tpu.memory_space<vmem>>
    %dma_wait3A_35 = tpu.memref_squeeze %dma_wait3A_34 : memref<1x128xi32, #tpu.memory_space<vmem>> -> memref<128xi32, #tpu.memory_space<vmem>>
    %dma_wait3A_36 = arith.constant 0 : i32
    %dma_wait3A_37 = arith.constant 0 : i32
    %dma_wait3A_38 = tpu.memref_slice %arg2[%dma_wait3A_36, %dma_wait3A_37] : memref<10144x128xf32, #tpu.memory_space<hbm>> -> memref<10144x128xf32, #tpu.memory_space<hbm>>
    tpu.wait_indirect_dma semaphore(%arg7 : memref<!tpu.dma_semaphore, #tpu.memory_space<semaphore_mem>>) src(%dma_wait3A_38 : memref<10144x128xf32, #tpu.memory_space<hbm>>) dst(%dma_wait3A_32 : memref<128x128xf32, #tpu.memory_space<vmem>>)
    %dma_wait3A_39 = arith.constant 1 : i32
    %dma_wait3A_40 = arith.constant 128 : i32
    %dma_wait3A_41 = arith.constant 0 : i32
    %dma_wait3A_42 = tpu.memref_slice %arg6[%dma_wait3A_40, %dma_wait3A_41] : memref<384x128xf32, #tpu.memory_space<vmem>> -> memref<128x128xf32, #tpu.memory_space<vmem>>
    %dma_wait3A_43 = arith.constant 0 : i32
    %dma_wait3A_44 = tpu.memref_slice %arg5[%dma_wait3A_39, %dma_wait3A_43] : memref<3x128xi32, #tpu.memory_space<vmem>> -> memref<1x128xi32, #tpu.memory_space<vmem>>
    %dma_wait3A_45 = tpu.memref_squeeze %dma_wait3A_44 : memref<1x128xi32, #tpu.memory_space<vmem>> -> memref<128xi32, #tpu.memory_space<vmem>>
    %dma_wait3A_46 = arith.constant 0 : i32
    %dma_wait3A_47 = arith.constant 0 : i32
    %dma_wait3A_48 = tpu.memref_slice %arg2[%dma_wait3A_46, %dma_wait3A_47] : memref<10144x128xf32, #tpu.memory_space<hbm>> -> memref<10144x128xf32, #tpu.memory_space<hbm>>
    tpu.wait_indirect_dma semaphore(%arg7 : memref<!tpu.dma_semaphore, #tpu.memory_space<semaphore_mem>>) src(%dma_wait3A_48 : memref<10144x128xf32, #tpu.memory_space<hbm>>) dst(%dma_wait3A_42 : memref<128x128xf32, #tpu.memory_space<vmem>>)
    %dma_wait3A_49 = arith.constant 2 : i32
    %dma_wait3A_50 = arith.constant 256 : i32
    %dma_wait3A_51 = arith.constant 0 : i32
    %dma_wait3A_52 = tpu.memref_slice %arg6[%dma_wait3A_50, %dma_wait3A_51] : memref<384x128xf32, #tpu.memory_space<vmem>> -> memref<128x128xf32, #tpu.memory_space<vmem>>
    %dma_wait3A_53 = arith.constant 0 : i32
    %dma_wait3A_54 = tpu.memref_slice %arg5[%dma_wait3A_49, %dma_wait3A_53] : memref<3x128xi32, #tpu.memory_space<vmem>> -> memref<1x128xi32, #tpu.memory_space<vmem>>
    %dma_wait3A_55 = tpu.memref_squeeze %dma_wait3A_54 : memref<1x128xi32, #tpu.memory_space<vmem>> -> memref<128xi32, #tpu.memory_space<vmem>>
    %dma_wait3A_56 = arith.constant 0 : i32
    %dma_wait3A_57 = arith.constant 0 : i32
    %dma_wait3A_58 = tpu.memref_slice %arg2[%dma_wait3A_56, %dma_wait3A_57] : memref<10144x128xf32, #tpu.memory_space<hbm>> -> memref<10144x128xf32, #tpu.memory_space<hbm>>
    tpu.wait_indirect_dma semaphore(%arg7 : memref<!tpu.dma_semaphore, #tpu.memory_space<semaphore_mem>>) src(%dma_wait3A_58 : memref<10144x128xf32, #tpu.memory_space<hbm>>) dst(%dma_wait3A_52 : memref<128x128xf32, #tpu.memory_space<vmem>>)
    %mul3A_59 = arith.constant 384 : i32
    %mul3A_60 = arith.muli %add3A, %mul3A_59 : i32
    "tpu.region"() ({
      %run_scoped3A = tpu.sem_alloc : memref<!tpu.dma_semaphore, #tpu.memory_space<semaphore_mem>>
      %dma_start3A_61 = arith.constant 0 : i32
      %dma_start3A_62 = tpu.memref_slice %arg4[%mul3A_60, %dma_start3A_61] : memref<12288x128xf32, #tpu.memory_space<hbm>> -> memref<384x128xf32, #tpu.memory_space<hbm>>
      %dma_start3A_63 = arith.constant 0 : i32
      %dma_start3A_64 = tpu.memref_slice %arg4[%mul3A_60, %dma_start3A_63] : memref<12288x128xf32, #tpu.memory_space<hbm>> -> memref<384x128xf32, #tpu.memory_space<hbm>>
      tpu.enqueue_dma source(%arg6 : memref<384x128xf32, #tpu.memory_space<vmem>>) target(%dma_start3A_64 : memref<384x128xf32, #tpu.memory_space<hbm>>) target_semaphore(%run_scoped3A : memref<!tpu.dma_semaphore, #tpu.memory_space<semaphore_mem>>)
      %dma_wait3A_65 = arith.constant 0 : i32
      %dma_wait3A_66 = tpu.memref_slice %arg4[%mul3A_60, %dma_wait3A_65] : memref<12288x128xf32, #tpu.memory_space<hbm>> -> memref<384x128xf32, #tpu.memory_space<hbm>>
      %dma_wait3A_67 = arith.constant 0 : i32
      %dma_wait3A_68 = tpu.memref_slice %arg4[%mul3A_60, %dma_wait3A_67] : memref<12288x128xf32, #tpu.memory_space<hbm>> -> memref<384x128xf32, #tpu.memory_space<hbm>>
      tpu.wait_dma2 semaphore(%run_scoped3A : memref<!tpu.dma_semaphore, #tpu.memory_space<semaphore_mem>>) src(%arg6 : memref<384x128xf32, #tpu.memory_space<vmem>>) dst(%dma_wait3A_68 : memref<384x128xf32, #tpu.memory_space<hbm>>)
      tpu.yield
    }) : () -> ()
    return
  }
}

module attributes {stable_mosaic.version = 14 : i64} {
  func.func @_mlp_compact_body(%arg0: i32, %arg1: memref<2500xi32, #tpu.memory_space<smem>>, %arg2: memref<1x1x512xi32, #tpu.memory_space<vmem>>, %arg3: memref<1x1x512xi32, #tpu.memory_space<vmem>>, %arg4: memref<512x128xf32, #tpu.memory_space<vmem>>, %arg5: memref<128x128xbf16, #tpu.memory_space<vmem>>, %arg6: memref<128x128xbf16, #tpu.memory_space<vmem>>, %arg7: memref<1x128xf32, #tpu.memory_space<vmem>>, %arg8: memref<128x128xbf16, #tpu.memory_space<vmem>>, %arg9: memref<128x128xbf16, #tpu.memory_space<vmem>>, %arg10: memref<1x128xf32, #tpu.memory_space<vmem>>, %arg11: memref<10144x128xf32, #tpu.memory_space<vmem>>, %arg12: memref<10144x128xi32, #tpu.memory_space<vmem>>) attributes {dimension_semantics = [#tpu.dimension_semantics<arbitrary>], iteration_bounds = array<i64: 625>, scalar_prefetch = 1 : i64, scratch_operands = 0 : i64, tpu.core_type = #tpu.core_type<tc>, window_params = [{transform_indices = @transform_0, window_bounds = array<i64: 1, 1, 512>}, {transform_indices = @transform_1, window_bounds = array<i64: 1, 1, 512>}, {transform_indices = @transform_2, window_bounds = array<i64: 512, 128>}, {pipeline_mode = #tpu.pipeline_mode<synchronous>, transform_indices = @transform_3, window_bounds = array<i64: 128, 128>}, {pipeline_mode = #tpu.pipeline_mode<synchronous>, transform_indices = @transform_4, window_bounds = array<i64: 128, 128>}, {pipeline_mode = #tpu.pipeline_mode<synchronous>, transform_indices = @transform_5, window_bounds = array<i64: 1, 128>}, {pipeline_mode = #tpu.pipeline_mode<synchronous>, transform_indices = @transform_6, window_bounds = array<i64: 128, 128>}, {pipeline_mode = #tpu.pipeline_mode<synchronous>, transform_indices = @transform_7, window_bounds = array<i64: 128, 128>}, {pipeline_mode = #tpu.pipeline_mode<synchronous>, transform_indices = @transform_8, window_bounds = array<i64: 1, 128>}, {pipeline_mode = #tpu.pipeline_mode<synchronous>, transform_indices = @transform_9, window_bounds = array<i64: 10144, 128>}, {pipeline_mode = #tpu.pipeline_mode<synchronous>, transform_indices = @transform_10, window_bounds = array<i64: 10144, 128>}]} {
    %eq3A = arith.constant 0 : i32
    %eq3A_0 = arith.cmpi eq, %arg0, %eq3A : i32
    %convert_element_type3A = arith.extui %eq3A_0 : i1 to i32
    %cond3A = arith.constant 0 : i32
    %cond3A_1 = arith.cmpi ne, %convert_element_type3A, %cond3A : i32
    scf.if %cond3A_1 {
      %broadcast_in_dim3A_503 = arith.constant 0.000000e+00 : f32
      %broadcast_in_dim3A_504 = vector.broadcast %broadcast_in_dim3A_503 : f32 to vector<10144x128xf32>
      %swap3A_505 = arith.constant 0 : index
      %swap3A_506 = arith.constant 0 : index
      %swap3A_507 = vector.load %arg11[%swap3A_505, %swap3A_506] : memref<10144x128xf32, #tpu.memory_space<vmem>>, vector<10144x128xf32>
      tpu.vector_store %arg11[%swap3A_505, %swap3A_506], %broadcast_in_dim3A_504 {strides = array<i32>} : memref<10144x128xf32, #tpu.memory_space<vmem>>, vector<10144x128xf32>,
      %broadcast_in_dim3A_508 = arith.constant 0 : i32
      %broadcast_in_dim3A_509 = vector.broadcast %broadcast_in_dim3A_508 : i32 to vector<10144x128xi32>
      %swap3A_510 = arith.constant 0 : index
      %swap3A_511 = arith.constant 0 : index
      %swap3A_512 = vector.load %arg12[%swap3A_510, %swap3A_511] : memref<10144x128xi32, #tpu.memory_space<vmem>>, vector<10144x128xi32>
      tpu.vector_store %arg12[%swap3A_510, %swap3A_511], %broadcast_in_dim3A_509 {strides = array<i32>} : memref<10144x128xi32, #tpu.memory_space<vmem>>, vector<10144x128xi32>,
    } else {
    }
    %get3A = arith.constant 0 : index
    %get3A_2 = arith.constant 0 : index
    %get3A_3 = vector.load %arg4[%get3A, %get3A_2] : memref<512x128xf32, #tpu.memory_space<vmem>>, vector<512x128xf32>
    %get3A_4 = arith.constant 0 : index
    %get3A_5 = arith.constant 0 : index
    %get3A_6 = vector.load %arg5[%get3A_4, %get3A_5] : memref<128x128xbf16, #tpu.memory_space<vmem>>, vector<128x128xbf16>
    %get3A_7 = arith.constant 0 : index
    %get3A_8 = arith.constant 0 : index
    %get3A_9 = vector.load %arg6[%get3A_7, %get3A_8] : memref<128x128xbf16, #tpu.memory_space<vmem>>, vector<128x128xbf16>
    %convert_element_type3A_10 = arith.truncf %get3A_3 : vector<512x128xf32> to vector<512x128xbf16>
    %convert_element_type3A_11 = arith.extf %convert_element_type3A_10 : vector<512x128xbf16> to vector<512x128xf32>
    %sub3A = arith.subf %get3A_3, %convert_element_type3A_11 : vector<512x128xf32>
    %convert_element_type3A_12 = arith.truncf %sub3A : vector<512x128xf32> to vector<512x128xbf16>
    %dot_general3A = arith.constant dense<0.000000e+00> : vector<512x128xf32>
    %dot_general3A_13 = tpu.matmul %convert_element_type3A_10, %get3A_6, %dot_general3A {dimension_numbers = #tpu.dot_dimension_numbers<[1], [0], [0], [1], [0, 0, 1, 1], [], []>, transpose_lhs_hint = false} : vector<512x128xbf16>, vector<128x128xbf16>, vector<512x128xf32> -> vector<512x128xf32>
    %dot_general3A_14 = arith.constant dense<0.000000e+00> : vector<512x128xf32>
    %dot_general3A_15 = tpu.matmul %convert_element_type3A_10, %get3A_9, %dot_general3A_14 {dimension_numbers = #tpu.dot_dimension_numbers<[1], [0], [0], [1], [0, 0, 1, 1], [], []>, transpose_lhs_hint = false} : vector<512x128xbf16>, vector<128x128xbf16>, vector<512x128xf32> -> vector<512x128xf32>
    %dot_general3A_16 = arith.constant dense<0.000000e+00> : vector<512x128xf32>
    %dot_general3A_17 = tpu.matmul %convert_element_type3A_12, %get3A_6, %dot_general3A_16 {dimension_numbers = #tpu.dot_dimension_numbers<[1], [0], [0], [1], [0, 0, 1, 1], [], []>, transpose_lhs_hint = false} : vector<512x128xbf16>, vector<128x128xbf16>, vector<512x128xf32> -> vector<512x128xf32>
    %add3A = arith.addf %dot_general3A_15, %dot_general3A_17 : vector<512x128xf32>
    %add3A_18 = arith.addf %dot_general3A_13, %add3A : vector<512x128xf32>
    %get3A_19 = arith.constant 0 : index
    %get3A_20 = arith.constant 0 : index
    %get3A_21 = vector.load %arg7[%get3A_19, %get3A_20] : memref<1x128xf32, #tpu.memory_space<vmem>>, vector<1x128xf32>
    %add3A_22 = vector.broadcast %get3A_21 : vector<1x128xf32> to vector<512x128xf32>
    %add3A_23 = arith.addf %add3A_18, %add3A_22 : vector<512x128xf32>
    %custom_jvp_call3A = arith.constant 0.000000e+00 : f32
    %max3A = vector.broadcast %custom_jvp_call3A : f32 to vector<512x128xf32>
    %max3A_24 = arith.maximumf %add3A_23, %max3A : vector<512x128xf32>
    %sub3A_25 = vector.broadcast %custom_jvp_call3A : f32 to vector<512x128xf32>
    %sub3A_26 = arith.subf %add3A_23, %sub3A_25 : vector<512x128xf32>
    %ne3A = arith.cmpf one, %sub3A_26, %sub3A_26 : vector<512x128xf32>
    %add3A_27 = vector.broadcast %custom_jvp_call3A : f32 to vector<512x128xf32>
    %add3A_28 = arith.addf %add3A_23, %add3A_27 : vector<512x128xf32>
    %abs3A = math.absf %sub3A_26 : vector<512x128xf32>
    %neg3A = arith.constant 0.000000e+00 : f32
    %neg3A_29 = vector.broadcast %neg3A : f32 to vector<512x128xf32>
    %neg3A_30 = arith.subf %neg3A_29, %abs3A : vector<512x128xf32>
    %exp3A = math.exp %neg3A_30 : vector<512x128xf32>
    %log1p3A = math.log1p %exp3A : vector<512x128xf32>
    %add3A_31 = arith.addf %max3A_24, %log1p3A : vector<512x128xf32>
    %select_n3A = arith.select %ne3A, %add3A_28, %add3A_31 : vector<512x128xi1>, vector<512x128xf32>
    %sub3A_32 = arith.constant 0.693147182 : f32
    %sub3A_33 = vector.broadcast %sub3A_32 : f32 to vector<512x128xf32>
    %sub3A_34 = arith.subf %select_n3A, %sub3A_33 : vector<512x128xf32>
    %get3A_35 = arith.constant 0 : index
    %get3A_36 = arith.constant 0 : index
    %get3A_37 = vector.load %arg8[%get3A_35, %get3A_36] : memref<128x128xbf16, #tpu.memory_space<vmem>>, vector<128x128xbf16>
    %get3A_38 = arith.constant 0 : index
    %get3A_39 = arith.constant 0 : index
    %get3A_40 = vector.load %arg9[%get3A_38, %get3A_39] : memref<128x128xbf16, #tpu.memory_space<vmem>>, vector<128x128xbf16>
    %convert_element_type3A_41 = arith.truncf %sub3A_34 : vector<512x128xf32> to vector<512x128xbf16>
    %convert_element_type3A_42 = arith.extf %convert_element_type3A_41 : vector<512x128xbf16> to vector<512x128xf32>
    %sub3A_43 = arith.subf %sub3A_34, %convert_element_type3A_42 : vector<512x128xf32>
    %convert_element_type3A_44 = arith.truncf %sub3A_43 : vector<512x128xf32> to vector<512x128xbf16>
    %dot_general3A_45 = arith.constant dense<0.000000e+00> : vector<512x128xf32>
    %dot_general3A_46 = tpu.matmul %convert_element_type3A_41, %get3A_37, %dot_general3A_45 {dimension_numbers = #tpu.dot_dimension_numbers<[1], [0], [0], [1], [0, 0, 1, 1], [], []>, transpose_lhs_hint = false} : vector<512x128xbf16>, vector<128x128xbf16>, vector<512x128xf32> -> vector<512x128xf32>
    %dot_general3A_47 = arith.constant dense<0.000000e+00> : vector<512x128xf32>
    %dot_general3A_48 = tpu.matmul %convert_element_type3A_41, %get3A_40, %dot_general3A_47 {dimension_numbers = #tpu.dot_dimension_numbers<[1], [0], [0], [1], [0, 0, 1, 1], [], []>, transpose_lhs_hint = false} : vector<512x128xbf16>, vector<128x128xbf16>, vector<512x128xf32> -> vector<512x128xf32>
    %dot_general3A_49 = arith.constant dense<0.000000e+00> : vector<512x128xf32>
    %dot_general3A_50 = tpu.matmul %convert_element_type3A_44, %get3A_37, %dot_general3A_49 {dimension_numbers = #tpu.dot_dimension_numbers<[1], [0], [0], [1], [0, 0, 1, 1], [], []>, transpose_lhs_hint = false} : vector<512x128xbf16>, vector<128x128xbf16>, vector<512x128xf32> -> vector<512x128xf32>
    %add3A_51 = arith.addf %dot_general3A_48, %dot_general3A_50 : vector<512x128xf32>
    %add3A_52 = arith.addf %dot_general3A_46, %add3A_51 : vector<512x128xf32>
    %get3A_53 = arith.constant 0 : index
    %get3A_54 = arith.constant 0 : index
    %get3A_55 = vector.load %arg10[%get3A_53, %get3A_54] : memref<1x128xf32, #tpu.memory_space<vmem>>, vector<1x128xf32>
    %add3A_56 = vector.broadcast %get3A_55 : vector<1x128xf32> to vector<512x128xf32>
    %add3A_57 = arith.addf %add3A_52, %add3A_56 : vector<512x128xf32>
    %custom_jvp_call3A_58 = arith.constant 0.000000e+00 : f32
    %max3A_59 = vector.broadcast %custom_jvp_call3A_58 : f32 to vector<512x128xf32>
    %max3A_60 = arith.maximumf %add3A_57, %max3A_59 : vector<512x128xf32>
    %sub3A_61 = vector.broadcast %custom_jvp_call3A_58 : f32 to vector<512x128xf32>
    %sub3A_62 = arith.subf %add3A_57, %sub3A_61 : vector<512x128xf32>
    %ne3A_63 = arith.cmpf one, %sub3A_62, %sub3A_62 : vector<512x128xf32>
    %add3A_64 = vector.broadcast %custom_jvp_call3A_58 : f32 to vector<512x128xf32>
    %add3A_65 = arith.addf %add3A_57, %add3A_64 : vector<512x128xf32>
    %abs3A_66 = math.absf %sub3A_62 : vector<512x128xf32>
    %neg3A_67 = arith.constant 0.000000e+00 : f32
    %neg3A_68 = vector.broadcast %neg3A_67 : f32 to vector<512x128xf32>
    %neg3A_69 = arith.subf %neg3A_68, %abs3A_66 : vector<512x128xf32>
    %exp3A_70 = math.exp %neg3A_69 : vector<512x128xf32>
    %log1p3A_71 = math.log1p %exp3A_70 : vector<512x128xf32>
    %add3A_72 = arith.addf %max3A_60, %log1p3A_71 : vector<512x128xf32>
    %select_n3A_73 = arith.select %ne3A_63, %add3A_65, %add3A_72 : vector<512x128xi1>, vector<512x128xf32>
    %sub3A_74 = arith.constant 0.693147182 : f32
    %sub3A_75 = vector.broadcast %sub3A_74 : f32 to vector<512x128xf32>
    %sub3A_76 = arith.subf %select_n3A_73, %sub3A_75 : vector<512x128xf32>
    %convert_element_type3A_77 = arith.truncf %sub3A_76 : vector<512x128xf32> to vector<512x128xbf16>
    %convert_element_type3A_78 = arith.extf %convert_element_type3A_77 : vector<512x128xbf16> to vector<512x128xf32>
    %sub3A_79 = arith.subf %sub3A_76, %convert_element_type3A_78 : vector<512x128xf32>
    %convert_element_type3A_80 = arith.truncf %sub3A_79 : vector<512x128xf32> to vector<512x128xbf16>
    %mul3A = arith.constant 4 : i32
    %mul3A_81 = arith.muli %arg0, %mul3A : i32
    %add3A_82 = arith.constant 0 : i32
    %add3A_83 = arith.addi %mul3A_81, %add3A_82 : i32
    %get3A_84 = arith.index_cast %add3A_83 : i32 to index
    %get3A_85 = memref.load %arg1[%get3A_84] : memref<2500xi32, #tpu.memory_space<smem>>
    %shift_right_arithmetic3A = arith.constant 1 : i32
    %shift_right_arithmetic3A_86 = arith.shrsi %get3A_85, %shift_right_arithmetic3A : i32
    %and3A = arith.constant 1 : i32
    %and3A_87 = arith.andi %get3A_85, %and3A : i32
    %jit3A = arith.constant 8 : i32
    %div3A = arith.divsi %shift_right_arithmetic3A_86, %jit3A : i32
    %sign3A = arith.constant 0 : i32
    %sign3A_88 = arith.cmpi sgt, %shift_right_arithmetic3A_86, %sign3A : i32
    %sign3A_89 = arith.extui %sign3A_88 : i1 to i32
    %sign3A_90 = arith.constant 0 : i32
    %sign3A_91 = arith.cmpi slt, %shift_right_arithmetic3A_86, %sign3A_90 : i32
    %sign3A_92 = arith.extui %sign3A_91 : i1 to i32
    %sign3A_93 = arith.subi %sign3A_89, %sign3A_92 : i32
    %sign3A_94 = arith.constant 0 : i32
    %sign3A_95 = arith.cmpi sgt, %jit3A, %sign3A_94 : i32
    %sign3A_96 = arith.extui %sign3A_95 : i1 to i32
    %sign3A_97 = arith.constant 0 : i32
    %sign3A_98 = arith.cmpi slt, %jit3A, %sign3A_97 : i32
    %sign3A_99 = arith.extui %sign3A_98 : i1 to i32
    %sign3A_100 = arith.subi %sign3A_96, %sign3A_99 : i32
    %ne3A_101 = arith.cmpi ne, %sign3A_93, %sign3A_100 : i32
    %rem3A = arith.remsi %shift_right_arithmetic3A_86, %jit3A : i32
    %ne3A_102 = arith.constant 0 : i32
    %ne3A_103 = arith.cmpi ne, %rem3A, %ne3A_102 : i32
    %and3A_104 = arith.andi %ne3A_101, %ne3A_103 : i1
    %sub3A_105 = arith.constant 1 : i32
    %sub3A_106 = arith.subi %div3A, %sub3A_105 : i32
    %select_n3A_107 = arith.select %and3A_104, %sub3A_106, %div3A : i32
    %mul3A_108 = arith.constant 8 : i32
    %mul3A_109 = arith.muli %select_n3A_107, %mul3A_108 : i32
    %get3A_110 = arith.constant 0 : index
    %get3A_111 = arith.constant 0 : index
    %get3A_112 = arith.constant 0 : index
    %get3A_113 = vector.load %arg2[%get3A_110, %get3A_111, %get3A_112] : memref<1x1x512xi32, #tpu.memory_space<vmem>>, vector<1x1x128xi32>
    %get3A_114 = vector.shape_cast %get3A_113 : vector<1x1x128xi32> to vector<128xi32>
    %sub3A_115 = vector.broadcast %mul3A_109 : i32 to vector<128xi32>
    %sub3A_116 = arith.subi %get3A_114, %sub3A_115 : vector<128xi32>
    %iota3A = tpu.iota {dimensions = array<i32: 0>} : vector<136x128xi32>
    %broadcast_in_dim3A = vector.shape_cast %sub3A_116 : vector<128xi32> to vector<1x128xi32>
    %eq3A_117 = vector.broadcast %broadcast_in_dim3A : vector<1x128xi32> to vector<136x128xi32>
    %eq3A_118 = arith.cmpi eq, %iota3A, %eq3A_117 : vector<136x128xi32>
    %jit3A_119 = arith.constant 1.000000e+00 : f32
    %jit3A_120 = arith.constant 0.000000e+00 : f32
    %broadcast_in_dim3A_121 = vector.broadcast %jit3A_119 : f32 to vector<136x128xf32>
    %broadcast_in_dim3A_122 = vector.broadcast %jit3A_120 : f32 to vector<136x128xf32>
    %select_n3A_123 = arith.select %eq3A_118, %broadcast_in_dim3A_121, %broadcast_in_dim3A_122 : vector<136x128xi1>, vector<136x128xf32>
    %convert_element_type3A_124 = arith.truncf %select_n3A_123 : vector<136x128xf32> to vector<136x128xbf16>
    %slice3A = vector.extract_strided_slice %convert_element_type3A_77 {offsets = [0, 0], sizes = [128, 128], strides = [1, 1]} : vector<512x128xbf16> to vector<128x128xbf16>
    %dot_general3A_125 = arith.constant dense<0.000000e+00> : vector<136x128xf32>
    %dot_general3A_126 = tpu.matmul %convert_element_type3A_124, %slice3A, %dot_general3A_125 {dimension_numbers = #tpu.dot_dimension_numbers<[1], [0], [0], [1], [0, 0, 1, 1], [], []>, transpose_lhs_hint = false} : vector<136x128xbf16>, vector<128x128xbf16>, vector<136x128xf32> -> vector<136x128xf32>
    %slice3A_127 = vector.extract_strided_slice %convert_element_type3A_80 {offsets = [0, 0], sizes = [128, 128], strides = [1, 1]} : vector<512x128xbf16> to vector<128x128xbf16>
    %dot_general3A_128 = arith.constant dense<0.000000e+00> : vector<136x128xf32>
    %dot_general3A_129 = tpu.matmul %convert_element_type3A_124, %slice3A_127, %dot_general3A_128 {dimension_numbers = #tpu.dot_dimension_numbers<[1], [0], [0], [1], [0, 0, 1, 1], [], []>, transpose_lhs_hint = false} : vector<136x128xbf16>, vector<128x128xbf16>, vector<136x128xf32> -> vector<136x128xf32>
    %add3A_130 = arith.addf %dot_general3A_126, %dot_general3A_129 : vector<136x128xf32>
    %get3A_131 = arith.index_cast %mul3A_109 : i32 to index
    %get3A_132 = arith.constant 0 : index
    %get3A_133 = vector.load %arg11[%get3A_131, %get3A_132] : memref<10144x128xf32, #tpu.memory_space<vmem>>, vector<136x128xf32>
    %add3A_134 = arith.addf %get3A_133, %add3A_130 : vector<136x128xf32>
    %swap3A = arith.index_cast %mul3A_109 : i32 to index
    %swap3A_135 = arith.constant 0 : index
    %swap3A_136 = vector.load %arg11[%swap3A, %swap3A_135] : memref<10144x128xf32, #tpu.memory_space<vmem>>, vector<136x128xf32>
    tpu.vector_store %arg11[%swap3A, %swap3A_135], %add3A_134 {strides = array<i32>} : memref<10144x128xf32, #tpu.memory_space<vmem>>, vector<136x128xf32>,
    %get3A_137 = arith.constant 0 : index
    %get3A_138 = arith.constant 0 : index
    %get3A_139 = arith.constant 0 : index
    %get3A_140 = vector.load %arg3[%get3A_137, %get3A_138, %get3A_139] : memref<1x1x512xi32, #tpu.memory_space<vmem>>, vector<1x1x128xi32>
    %get3A_141 = vector.shape_cast %get3A_140 : vector<1x1x128xi32> to vector<128xi32>
    %broadcast_in_dim3A_142 = vector.shape_cast %get3A_141 : vector<128xi32> to vector<1x128xi32>
    %jit3A_143 = arith.constant -1 : i32
    %broadcast_in_dim3A_144 = vector.shape_cast %broadcast_in_dim3A_142 : vector<1x128xi32> to vector<1x128xi32>
    %broadcast_in_dim3A_145 = vector.broadcast %broadcast_in_dim3A_144 : vector<1x128xi32> to vector<136x128xi32>
    %broadcast_in_dim3A_146 = vector.broadcast %jit3A_143 : i32 to vector<136x128xi32>
    %select_n3A_147 = arith.select %eq3A_118, %broadcast_in_dim3A_145, %broadcast_in_dim3A_146 : vector<136x128xi1>, vector<136x128xi32>
    %reduce_max3A = arith.constant dense<-2147483648> : vector<136xi32>
    %reduce_max3A_148 = vector.multi_reduction <maxsi>, %select_n3A_147, %reduce_max3A [1] : vector<136x128xi32> to vector<136xi32>
    %broadcast_in_dim3A_149 = vector.shape_cast %reduce_max3A_148 : vector<136xi32> to vector<136x1xi32>
    %broadcast_in_dim3A_150 = vector.shape_cast %broadcast_in_dim3A_149 : vector<136x1xi32> to vector<136x1xi32>
    %broadcast_in_dim3A_151 = vector.broadcast %broadcast_in_dim3A_150 : vector<136x1xi32> to vector<136x128xi32>
    %sub3A_152 = arith.subi %shift_right_arithmetic3A_86, %mul3A_109 : i32
    %gt3A = vector.broadcast %sub3A_152 : i32 to vector<136x128xi32>
    %gt3A_153 = arith.cmpi sgt, %iota3A, %gt3A : vector<136x128xi32>
    %eq3A_154 = vector.broadcast %sub3A_152 : i32 to vector<136x128xi32>
    %eq3A_155 = arith.cmpi eq, %iota3A, %eq3A_154 : vector<136x128xi32>
    %eq3A_156 = arith.constant 1 : i32
    %eq3A_157 = arith.cmpi eq, %and3A_87, %eq3A_156 : i32
    %and3A_158 = vector.broadcast %eq3A_157 : i1 to vector<136x128xi1>
    %and3A_159 = arith.andi %eq3A_155, %and3A_158 : vector<136x128xi1>
    %or3A = arith.ori %gt3A_153, %and3A_159 : vector<136x128xi1>
    %add3A_160 = arith.constant 1 : i32
    %add3A_161 = vector.broadcast %add3A_160 : i32 to vector<136x128xi32>
    %add3A_162 = arith.addi %broadcast_in_dim3A_151, %add3A_161 : vector<136x128xi32>
    %max3A_163 = arith.constant 0 : i32
    %max3A_164 = vector.broadcast %max3A_163 : i32 to vector<136x128xi32>
    %max3A_165 = arith.maxsi %add3A_162, %max3A_164 : vector<136x128xi32>
    %jit3A_166 = arith.constant 0 : i32
    %broadcast_in_dim3A_167 = vector.broadcast %jit3A_166 : i32 to vector<136x128xi32>
    %select_n3A_168 = arith.select %or3A, %max3A_165, %broadcast_in_dim3A_167 : vector<136x128xi1>, vector<136x128xi32>
    %get3A_169 = arith.index_cast %mul3A_109 : i32 to index
    %get3A_170 = arith.constant 0 : index
    %get3A_171 = vector.load %arg12[%get3A_169, %get3A_170] : memref<10144x128xi32, #tpu.memory_space<vmem>>, vector<136x128xi32>
    %add3A_172 = arith.addi %get3A_171, %select_n3A_168 : vector<136x128xi32>
    %swap3A_173 = arith.index_cast %mul3A_109 : i32 to index
    %swap3A_174 = arith.constant 0 : index
    %swap3A_175 = vector.load %arg12[%swap3A_173, %swap3A_174] : memref<10144x128xi32, #tpu.memory_space<vmem>>, vector<136x128xi32>
    tpu.vector_store %arg12[%swap3A_173, %swap3A_174], %add3A_172 {strides = array<i32>} : memref<10144x128xi32, #tpu.memory_space<vmem>>, vector<136x128xi32>,
    %mul3A_176 = arith.constant 4 : i32
    %mul3A_177 = arith.muli %arg0, %mul3A_176 : i32
    %add3A_178 = arith.constant 1 : i32
    %add3A_179 = arith.addi %mul3A_177, %add3A_178 : i32
    %get3A_180 = arith.index_cast %add3A_179 : i32 to index
    %get3A_181 = memref.load %arg1[%get3A_180] : memref<2500xi32, #tpu.memory_space<smem>>
    %shift_right_arithmetic3A_182 = arith.constant 1 : i32
    %shift_right_arithmetic3A_183 = arith.shrsi %get3A_181, %shift_right_arithmetic3A_182 : i32
    %and3A_184 = arith.constant 1 : i32
    %and3A_185 = arith.andi %get3A_181, %and3A_184 : i32
    %jit3A_186 = arith.constant 8 : i32
    %div3A_187 = arith.divsi %shift_right_arithmetic3A_183, %jit3A_186 : i32
    %sign3A_188 = arith.constant 0 : i32
    %sign3A_189 = arith.cmpi sgt, %shift_right_arithmetic3A_183, %sign3A_188 : i32
    %sign3A_190 = arith.extui %sign3A_189 : i1 to i32
    %sign3A_191 = arith.constant 0 : i32
    %sign3A_192 = arith.cmpi slt, %shift_right_arithmetic3A_183, %sign3A_191 : i32
    %sign3A_193 = arith.extui %sign3A_192 : i1 to i32
    %sign3A_194 = arith.subi %sign3A_190, %sign3A_193 : i32
    %sign3A_195 = arith.constant 0 : i32
    %sign3A_196 = arith.cmpi sgt, %jit3A_186, %sign3A_195 : i32
    %sign3A_197 = arith.extui %sign3A_196 : i1 to i32
    %sign3A_198 = arith.constant 0 : i32
    %sign3A_199 = arith.cmpi slt, %jit3A_186, %sign3A_198 : i32
    %sign3A_200 = arith.extui %sign3A_199 : i1 to i32
    %sign3A_201 = arith.subi %sign3A_197, %sign3A_200 : i32
    %ne3A_202 = arith.cmpi ne, %sign3A_194, %sign3A_201 : i32
    %rem3A_203 = arith.remsi %shift_right_arithmetic3A_183, %jit3A_186 : i32
    %ne3A_204 = arith.constant 0 : i32
    %ne3A_205 = arith.cmpi ne, %rem3A_203, %ne3A_204 : i32
    %and3A_206 = arith.andi %ne3A_202, %ne3A_205 : i1
    %sub3A_207 = arith.constant 1 : i32
    %sub3A_208 = arith.subi %div3A_187, %sub3A_207 : i32
    %select_n3A_209 = arith.select %and3A_206, %sub3A_208, %div3A_187 : i32
    %mul3A_210 = arith.constant 8 : i32
    %mul3A_211 = arith.muli %select_n3A_209, %mul3A_210 : i32
    %get3A_212 = arith.constant 0 : index
    %get3A_213 = arith.constant 0 : index
    %get3A_214 = arith.constant 128 : index
    %get3A_215 = vector.load %arg2[%get3A_212, %get3A_213, %get3A_214] : memref<1x1x512xi32, #tpu.memory_space<vmem>>, vector<1x1x128xi32>
    %get3A_216 = vector.shape_cast %get3A_215 : vector<1x1x128xi32> to vector<128xi32>
    %sub3A_217 = vector.broadcast %mul3A_211 : i32 to vector<128xi32>
    %sub3A_218 = arith.subi %get3A_216, %sub3A_217 : vector<128xi32>
    %iota3A_219 = tpu.iota {dimensions = array<i32: 0>} : vector<136x128xi32>
    %broadcast_in_dim3A_220 = vector.shape_cast %sub3A_218 : vector<128xi32> to vector<1x128xi32>
    %eq3A_221 = vector.broadcast %broadcast_in_dim3A_220 : vector<1x128xi32> to vector<136x128xi32>
    %eq3A_222 = arith.cmpi eq, %iota3A_219, %eq3A_221 : vector<136x128xi32>
    %jit3A_223 = arith.constant 1.000000e+00 : f32
    %jit3A_224 = arith.constant 0.000000e+00 : f32
    %broadcast_in_dim3A_225 = vector.broadcast %jit3A_223 : f32 to vector<136x128xf32>
    %broadcast_in_dim3A_226 = vector.broadcast %jit3A_224 : f32 to vector<136x128xf32>
    %select_n3A_227 = arith.select %eq3A_222, %broadcast_in_dim3A_225, %broadcast_in_dim3A_226 : vector<136x128xi1>, vector<136x128xf32>
    %convert_element_type3A_228 = arith.truncf %select_n3A_227 : vector<136x128xf32> to vector<136x128xbf16>
    %slice3A_229 = vector.extract_strided_slice %convert_element_type3A_77 {offsets = [128, 0], sizes = [128, 128], strides = [1, 1]} : vector<512x128xbf16> to vector<128x128xbf16>
    %dot_general3A_230 = arith.constant dense<0.000000e+00> : vector<136x128xf32>
    %dot_general3A_231 = tpu.matmul %convert_element_type3A_228, %slice3A_229, %dot_general3A_230 {dimension_numbers = #tpu.dot_dimension_numbers<[1], [0], [0], [1], [0, 0, 1, 1], [], []>, transpose_lhs_hint = false} : vector<136x128xbf16>, vector<128x128xbf16>, vector<136x128xf32> -> vector<136x128xf32>
    %slice3A_232 = vector.extract_strided_slice %convert_element_type3A_80 {offsets = [128, 0], sizes = [128, 128], strides = [1, 1]} : vector<512x128xbf16> to vector<128x128xbf16>
    %dot_general3A_233 = arith.constant dense<0.000000e+00> : vector<136x128xf32>
    %dot_general3A_234 = tpu.matmul %convert_element_type3A_228, %slice3A_232, %dot_general3A_233 {dimension_numbers = #tpu.dot_dimension_numbers<[1], [0], [0], [1], [0, 0, 1, 1], [], []>, transpose_lhs_hint = false} : vector<136x128xbf16>, vector<128x128xbf16>, vector<136x128xf32> -> vector<136x128xf32>
    %add3A_235 = arith.addf %dot_general3A_231, %dot_general3A_234 : vector<136x128xf32>
    %get3A_236 = arith.index_cast %mul3A_211 : i32 to index
    %get3A_237 = arith.constant 0 : index
    %get3A_238 = vector.load %arg11[%get3A_236, %get3A_237] : memref<10144x128xf32, #tpu.memory_space<vmem>>, vector<136x128xf32>
    %add3A_239 = arith.addf %get3A_238, %add3A_235 : vector<136x128xf32>
    %swap3A_240 = arith.index_cast %mul3A_211 : i32 to index
    %swap3A_241 = arith.constant 0 : index
    %swap3A_242 = vector.load %arg11[%swap3A_240, %swap3A_241] : memref<10144x128xf32, #tpu.memory_space<vmem>>, vector<136x128xf32>
    tpu.vector_store %arg11[%swap3A_240, %swap3A_241], %add3A_239 {strides = array<i32>} : memref<10144x128xf32, #tpu.memory_space<vmem>>, vector<136x128xf32>,
    %get3A_243 = arith.constant 0 : index
    %get3A_244 = arith.constant 0 : index
    %get3A_245 = arith.constant 128 : index
    %get3A_246 = vector.load %arg3[%get3A_243, %get3A_244, %get3A_245] : memref<1x1x512xi32, #tpu.memory_space<vmem>>, vector<1x1x128xi32>
    %get3A_247 = vector.shape_cast %get3A_246 : vector<1x1x128xi32> to vector<128xi32>
    %broadcast_in_dim3A_248 = vector.shape_cast %get3A_247 : vector<128xi32> to vector<1x128xi32>
    %jit3A_249 = arith.constant -1 : i32
    %broadcast_in_dim3A_250 = vector.shape_cast %broadcast_in_dim3A_248 : vector<1x128xi32> to vector<1x128xi32>
    %broadcast_in_dim3A_251 = vector.broadcast %broadcast_in_dim3A_250 : vector<1x128xi32> to vector<136x128xi32>
    %broadcast_in_dim3A_252 = vector.broadcast %jit3A_249 : i32 to vector<136x128xi32>
    %select_n3A_253 = arith.select %eq3A_222, %broadcast_in_dim3A_251, %broadcast_in_dim3A_252 : vector<136x128xi1>, vector<136x128xi32>
    %reduce_max3A_254 = arith.constant dense<-2147483648> : vector<136xi32>
    %reduce_max3A_255 = vector.multi_reduction <maxsi>, %select_n3A_253, %reduce_max3A_254 [1] : vector<136x128xi32> to vector<136xi32>
    %broadcast_in_dim3A_256 = vector.shape_cast %reduce_max3A_255 : vector<136xi32> to vector<136x1xi32>
    %broadcast_in_dim3A_257 = vector.shape_cast %broadcast_in_dim3A_256 : vector<136x1xi32> to vector<136x1xi32>
    %broadcast_in_dim3A_258 = vector.broadcast %broadcast_in_dim3A_257 : vector<136x1xi32> to vector<136x128xi32>
    %sub3A_259 = arith.subi %shift_right_arithmetic3A_183, %mul3A_211 : i32
    %gt3A_260 = vector.broadcast %sub3A_259 : i32 to vector<136x128xi32>
    %gt3A_261 = arith.cmpi sgt, %iota3A_219, %gt3A_260 : vector<136x128xi32>
    %eq3A_262 = vector.broadcast %sub3A_259 : i32 to vector<136x128xi32>
    %eq3A_263 = arith.cmpi eq, %iota3A_219, %eq3A_262 : vector<136x128xi32>
    %eq3A_264 = arith.constant 1 : i32
    %eq3A_265 = arith.cmpi eq, %and3A_185, %eq3A_264 : i32
    %and3A_266 = vector.broadcast %eq3A_265 : i1 to vector<136x128xi1>
    %and3A_267 = arith.andi %eq3A_263, %and3A_266 : vector<136x128xi1>
    %or3A_268 = arith.ori %gt3A_261, %and3A_267 : vector<136x128xi1>
    %add3A_269 = arith.constant 1 : i32
    %add3A_270 = vector.broadcast %add3A_269 : i32 to vector<136x128xi32>
    %add3A_271 = arith.addi %broadcast_in_dim3A_258, %add3A_270 : vector<136x128xi32>
    %max3A_272 = arith.constant 0 : i32
    %max3A_273 = vector.broadcast %max3A_272 : i32 to vector<136x128xi32>
    %max3A_274 = arith.maxsi %add3A_271, %max3A_273 : vector<136x128xi32>
    %jit3A_275 = arith.constant 0 : i32
    %broadcast_in_dim3A_276 = vector.broadcast %jit3A_275 : i32 to vector<136x128xi32>
    %select_n3A_277 = arith.select %or3A_268, %max3A_274, %broadcast_in_dim3A_276 : vector<136x128xi1>, vector<136x128xi32>
    %get3A_278 = arith.index_cast %mul3A_211 : i32 to index
    %get3A_279 = arith.constant 0 : index
    %get3A_280 = vector.load %arg12[%get3A_278, %get3A_279] : memref<10144x128xi32, #tpu.memory_space<vmem>>, vector<136x128xi32>
    %add3A_281 = arith.addi %get3A_280, %select_n3A_277 : vector<136x128xi32>
    %swap3A_282 = arith.index_cast %mul3A_211 : i32 to index
    %swap3A_283 = arith.constant 0 : index
    %swap3A_284 = vector.load %arg12[%swap3A_282, %swap3A_283] : memref<10144x128xi32, #tpu.memory_space<vmem>>, vector<136x128xi32>
    tpu.vector_store %arg12[%swap3A_282, %swap3A_283], %add3A_281 {strides = array<i32>} : memref<10144x128xi32, #tpu.memory_space<vmem>>, vector<136x128xi32>,
    %mul3A_285 = arith.constant 4 : i32
    %mul3A_286 = arith.muli %arg0, %mul3A_285 : i32
    %add3A_287 = arith.constant 2 : i32
    %add3A_288 = arith.addi %mul3A_286, %add3A_287 : i32
    %get3A_289 = arith.index_cast %add3A_288 : i32 to index
    %get3A_290 = memref.load %arg1[%get3A_289] : memref<2500xi32, #tpu.memory_space<smem>>
    %shift_right_arithmetic3A_291 = arith.constant 1 : i32
    %shift_right_arithmetic3A_292 = arith.shrsi %get3A_290, %shift_right_arithmetic3A_291 : i32
    %and3A_293 = arith.constant 1 : i32
    %and3A_294 = arith.andi %get3A_290, %and3A_293 : i32
    %jit3A_295 = arith.constant 8 : i32
    %div3A_296 = arith.divsi %shift_right_arithmetic3A_292, %jit3A_295 : i32
    %sign3A_297 = arith.constant 0 : i32
    %sign3A_298 = arith.cmpi sgt, %shift_right_arithmetic3A_292, %sign3A_297 : i32
    %sign3A_299 = arith.extui %sign3A_298 : i1 to i32
    %sign3A_300 = arith.constant 0 : i32
    %sign3A_301 = arith.cmpi slt, %shift_right_arithmetic3A_292, %sign3A_300 : i32
    %sign3A_302 = arith.extui %sign3A_301 : i1 to i32
    %sign3A_303 = arith.subi %sign3A_299, %sign3A_302 : i32
    %sign3A_304 = arith.constant 0 : i32
    %sign3A_305 = arith.cmpi sgt, %jit3A_295, %sign3A_304 : i32
    %sign3A_306 = arith.extui %sign3A_305 : i1 to i32
    %sign3A_307 = arith.constant 0 : i32
    %sign3A_308 = arith.cmpi slt, %jit3A_295, %sign3A_307 : i32
    %sign3A_309 = arith.extui %sign3A_308 : i1 to i32
    %sign3A_310 = arith.subi %sign3A_306, %sign3A_309 : i32
    %ne3A_311 = arith.cmpi ne, %sign3A_303, %sign3A_310 : i32
    %rem3A_312 = arith.remsi %shift_right_arithmetic3A_292, %jit3A_295 : i32
    %ne3A_313 = arith.constant 0 : i32
    %ne3A_314 = arith.cmpi ne, %rem3A_312, %ne3A_313 : i32
    %and3A_315 = arith.andi %ne3A_311, %ne3A_314 : i1
    %sub3A_316 = arith.constant 1 : i32
    %sub3A_317 = arith.subi %div3A_296, %sub3A_316 : i32
    %select_n3A_318 = arith.select %and3A_315, %sub3A_317, %div3A_296 : i32
    %mul3A_319 = arith.constant 8 : i32
    %mul3A_320 = arith.muli %select_n3A_318, %mul3A_319 : i32
    %get3A_321 = arith.constant 0 : index
    %get3A_322 = arith.constant 0 : index
    %get3A_323 = arith.constant 256 : index
    %get3A_324 = vector.load %arg2[%get3A_321, %get3A_322, %get3A_323] : memref<1x1x512xi32, #tpu.memory_space<vmem>>, vector<1x1x128xi32>
    %get3A_325 = vector.shape_cast %get3A_324 : vector<1x1x128xi32> to vector<128xi32>
    %sub3A_326 = vector.broadcast %mul3A_320 : i32 to vector<128xi32>
    %sub3A_327 = arith.subi %get3A_325, %sub3A_326 : vector<128xi32>
    %iota3A_328 = tpu.iota {dimensions = array<i32: 0>} : vector<136x128xi32>
    %broadcast_in_dim3A_329 = vector.shape_cast %sub3A_327 : vector<128xi32> to vector<1x128xi32>
    %eq3A_330 = vector.broadcast %broadcast_in_dim3A_329 : vector<1x128xi32> to vector<136x128xi32>
    %eq3A_331 = arith.cmpi eq, %iota3A_328, %eq3A_330 : vector<136x128xi32>
    %jit3A_332 = arith.constant 1.000000e+00 : f32
    %jit3A_333 = arith.constant 0.000000e+00 : f32
    %broadcast_in_dim3A_334 = vector.broadcast %jit3A_332 : f32 to vector<136x128xf32>
    %broadcast_in_dim3A_335 = vector.broadcast %jit3A_333 : f32 to vector<136x128xf32>
    %select_n3A_336 = arith.select %eq3A_331, %broadcast_in_dim3A_334, %broadcast_in_dim3A_335 : vector<136x128xi1>, vector<136x128xf32>
    %convert_element_type3A_337 = arith.truncf %select_n3A_336 : vector<136x128xf32> to vector<136x128xbf16>
    %slice3A_338 = vector.extract_strided_slice %convert_element_type3A_77 {offsets = [256, 0], sizes = [128, 128], strides = [1, 1]} : vector<512x128xbf16> to vector<128x128xbf16>
    %dot_general3A_339 = arith.constant dense<0.000000e+00> : vector<136x128xf32>
    %dot_general3A_340 = tpu.matmul %convert_element_type3A_337, %slice3A_338, %dot_general3A_339 {dimension_numbers = #tpu.dot_dimension_numbers<[1], [0], [0], [1], [0, 0, 1, 1], [], []>, transpose_lhs_hint = false} : vector<136x128xbf16>, vector<128x128xbf16>, vector<136x128xf32> -> vector<136x128xf32>
    %slice3A_341 = vector.extract_strided_slice %convert_element_type3A_80 {offsets = [256, 0], sizes = [128, 128], strides = [1, 1]} : vector<512x128xbf16> to vector<128x128xbf16>
    %dot_general3A_342 = arith.constant dense<0.000000e+00> : vector<136x128xf32>
    %dot_general3A_343 = tpu.matmul %convert_element_type3A_337, %slice3A_341, %dot_general3A_342 {dimension_numbers = #tpu.dot_dimension_numbers<[1], [0], [0], [1], [0, 0, 1, 1], [], []>, transpose_lhs_hint = false} : vector<136x128xbf16>, vector<128x128xbf16>, vector<136x128xf32> -> vector<136x128xf32>
    %add3A_344 = arith.addf %dot_general3A_340, %dot_general3A_343 : vector<136x128xf32>
    %get3A_345 = arith.index_cast %mul3A_320 : i32 to index
    %get3A_346 = arith.constant 0 : index
    %get3A_347 = vector.load %arg11[%get3A_345, %get3A_346] : memref<10144x128xf32, #tpu.memory_space<vmem>>, vector<136x128xf32>
    %add3A_348 = arith.addf %get3A_347, %add3A_344 : vector<136x128xf32>
    %swap3A_349 = arith.index_cast %mul3A_320 : i32 to index
    %swap3A_350 = arith.constant 0 : index
    %swap3A_351 = vector.load %arg11[%swap3A_349, %swap3A_350] : memref<10144x128xf32, #tpu.memory_space<vmem>>, vector<136x128xf32>
    tpu.vector_store %arg11[%swap3A_349, %swap3A_350], %add3A_348 {strides = array<i32>} : memref<10144x128xf32, #tpu.memory_space<vmem>>, vector<136x128xf32>,
    %get3A_352 = arith.constant 0 : index
    %get3A_353 = arith.constant 0 : index
    %get3A_354 = arith.constant 256 : index
    %get3A_355 = vector.load %arg3[%get3A_352, %get3A_353, %get3A_354] : memref<1x1x512xi32, #tpu.memory_space<vmem>>, vector<1x1x128xi32>
    %get3A_356 = vector.shape_cast %get3A_355 : vector<1x1x128xi32> to vector<128xi32>
    %broadcast_in_dim3A_357 = vector.shape_cast %get3A_356 : vector<128xi32> to vector<1x128xi32>
    %jit3A_358 = arith.constant -1 : i32
    %broadcast_in_dim3A_359 = vector.shape_cast %broadcast_in_dim3A_357 : vector<1x128xi32> to vector<1x128xi32>
    %broadcast_in_dim3A_360 = vector.broadcast %broadcast_in_dim3A_359 : vector<1x128xi32> to vector<136x128xi32>
    %broadcast_in_dim3A_361 = vector.broadcast %jit3A_358 : i32 to vector<136x128xi32>
    %select_n3A_362 = arith.select %eq3A_331, %broadcast_in_dim3A_360, %broadcast_in_dim3A_361 : vector<136x128xi1>, vector<136x128xi32>
    %reduce_max3A_363 = arith.constant dense<-2147483648> : vector<136xi32>
    %reduce_max3A_364 = vector.multi_reduction <maxsi>, %select_n3A_362, %reduce_max3A_363 [1] : vector<136x128xi32> to vector<136xi32>
    %broadcast_in_dim3A_365 = vector.shape_cast %reduce_max3A_364 : vector<136xi32> to vector<136x1xi32>
    %broadcast_in_dim3A_366 = vector.shape_cast %broadcast_in_dim3A_365 : vector<136x1xi32> to vector<136x1xi32>
    %broadcast_in_dim3A_367 = vector.broadcast %broadcast_in_dim3A_366 : vector<136x1xi32> to vector<136x128xi32>
    %sub3A_368 = arith.subi %shift_right_arithmetic3A_292, %mul3A_320 : i32
    %gt3A_369 = vector.broadcast %sub3A_368 : i32 to vector<136x128xi32>
    %gt3A_370 = arith.cmpi sgt, %iota3A_328, %gt3A_369 : vector<136x128xi32>
    %eq3A_371 = vector.broadcast %sub3A_368 : i32 to vector<136x128xi32>
    %eq3A_372 = arith.cmpi eq, %iota3A_328, %eq3A_371 : vector<136x128xi32>
    %eq3A_373 = arith.constant 1 : i32
    %eq3A_374 = arith.cmpi eq, %and3A_294, %eq3A_373 : i32
    %and3A_375 = vector.broadcast %eq3A_374 : i1 to vector<136x128xi1>
    %and3A_376 = arith.andi %eq3A_372, %and3A_375 : vector<136x128xi1>
    %or3A_377 = arith.ori %gt3A_370, %and3A_376 : vector<136x128xi1>
    %add3A_378 = arith.constant 1 : i32
    %add3A_379 = vector.broadcast %add3A_378 : i32 to vector<136x128xi32>
    %add3A_380 = arith.addi %broadcast_in_dim3A_367, %add3A_379 : vector<136x128xi32>
    %max3A_381 = arith.constant 0 : i32
    %max3A_382 = vector.broadcast %max3A_381 : i32 to vector<136x128xi32>
    %max3A_383 = arith.maxsi %add3A_380, %max3A_382 : vector<136x128xi32>
    %jit3A_384 = arith.constant 0 : i32
    %broadcast_in_dim3A_385 = vector.broadcast %jit3A_384 : i32 to vector<136x128xi32>
    %select_n3A_386 = arith.select %or3A_377, %max3A_383, %broadcast_in_dim3A_385 : vector<136x128xi1>, vector<136x128xi32>
    %get3A_387 = arith.index_cast %mul3A_320 : i32 to index
    %get3A_388 = arith.constant 0 : index
    %get3A_389 = vector.load %arg12[%get3A_387, %get3A_388] : memref<10144x128xi32, #tpu.memory_space<vmem>>, vector<136x128xi32>
    %add3A_390 = arith.addi %get3A_389, %select_n3A_386 : vector<136x128xi32>
    %swap3A_391 = arith.index_cast %mul3A_320 : i32 to index
    %swap3A_392 = arith.constant 0 : index
    %swap3A_393 = vector.load %arg12[%swap3A_391, %swap3A_392] : memref<10144x128xi32, #tpu.memory_space<vmem>>, vector<136x128xi32>
    tpu.vector_store %arg12[%swap3A_391, %swap3A_392], %add3A_390 {strides = array<i32>} : memref<10144x128xi32, #tpu.memory_space<vmem>>, vector<136x128xi32>,
    %mul3A_394 = arith.constant 4 : i32
    %mul3A_395 = arith.muli %arg0, %mul3A_394 : i32
    %add3A_396 = arith.constant 3 : i32
    %add3A_397 = arith.addi %mul3A_395, %add3A_396 : i32
    %get3A_398 = arith.index_cast %add3A_397 : i32 to index
    %get3A_399 = memref.load %arg1[%get3A_398] : memref<2500xi32, #tpu.memory_space<smem>>
    %shift_right_arithmetic3A_400 = arith.constant 1 : i32
    %shift_right_arithmetic3A_401 = arith.shrsi %get3A_399, %shift_right_arithmetic3A_400 : i32
    %and3A_402 = arith.constant 1 : i32
    %and3A_403 = arith.andi %get3A_399, %and3A_402 : i32
    %jit3A_404 = arith.constant 8 : i32
    %div3A_405 = arith.divsi %shift_right_arithmetic3A_401, %jit3A_404 : i32
    %sign3A_406 = arith.constant 0 : i32
    %sign3A_407 = arith.cmpi sgt, %shift_right_arithmetic3A_401, %sign3A_406 : i32
    %sign3A_408 = arith.extui %sign3A_407 : i1 to i32
    %sign3A_409 = arith.constant 0 : i32
    %sign3A_410 = arith.cmpi slt, %shift_right_arithmetic3A_401, %sign3A_409 : i32
    %sign3A_411 = arith.extui %sign3A_410 : i1 to i32
    %sign3A_412 = arith.subi %sign3A_408, %sign3A_411 : i32
    %sign3A_413 = arith.constant 0 : i32
    %sign3A_414 = arith.cmpi sgt, %jit3A_404, %sign3A_413 : i32
    %sign3A_415 = arith.extui %sign3A_414 : i1 to i32
    %sign3A_416 = arith.constant 0 : i32
    %sign3A_417 = arith.cmpi slt, %jit3A_404, %sign3A_416 : i32
    %sign3A_418 = arith.extui %sign3A_417 : i1 to i32
    %sign3A_419 = arith.subi %sign3A_415, %sign3A_418 : i32
    %ne3A_420 = arith.cmpi ne, %sign3A_412, %sign3A_419 : i32
    %rem3A_421 = arith.remsi %shift_right_arithmetic3A_401, %jit3A_404 : i32
    %ne3A_422 = arith.constant 0 : i32
    %ne3A_423 = arith.cmpi ne, %rem3A_421, %ne3A_422 : i32
    %and3A_424 = arith.andi %ne3A_420, %ne3A_423 : i1
    %sub3A_425 = arith.constant 1 : i32
    %sub3A_426 = arith.subi %div3A_405, %sub3A_425 : i32
    %select_n3A_427 = arith.select %and3A_424, %sub3A_426, %div3A_405 : i32
    %mul3A_428 = arith.constant 8 : i32
    %mul3A_429 = arith.muli %select_n3A_427, %mul3A_428 : i32
    %get3A_430 = arith.constant 0 : index
    %get3A_431 = arith.constant 0 : index
    %get3A_432 = arith.constant 384 : index
    %get3A_433 = vector.load %arg2[%get3A_430, %get3A_431, %get3A_432] : memref<1x1x512xi32, #tpu.memory_space<vmem>>, vector<1x1x128xi32>
    %get3A_434 = vector.shape_cast %get3A_433 : vector<1x1x128xi32> to vector<128xi32>
    %sub3A_435 = vector.broadcast %mul3A_429 : i32 to vector<128xi32>
    %sub3A_436 = arith.subi %get3A_434, %sub3A_435 : vector<128xi32>
    %iota3A_437 = tpu.iota {dimensions = array<i32: 0>} : vector<136x128xi32>
    %broadcast_in_dim3A_438 = vector.shape_cast %sub3A_436 : vector<128xi32> to vector<1x128xi32>
    %eq3A_439 = vector.broadcast %broadcast_in_dim3A_438 : vector<1x128xi32> to vector<136x128xi32>
    %eq3A_440 = arith.cmpi eq, %iota3A_437, %eq3A_439 : vector<136x128xi32>
    %jit3A_441 = arith.constant 1.000000e+00 : f32
    %jit3A_442 = arith.constant 0.000000e+00 : f32
    %broadcast_in_dim3A_443 = vector.broadcast %jit3A_441 : f32 to vector<136x128xf32>
    %broadcast_in_dim3A_444 = vector.broadcast %jit3A_442 : f32 to vector<136x128xf32>
    %select_n3A_445 = arith.select %eq3A_440, %broadcast_in_dim3A_443, %broadcast_in_dim3A_444 : vector<136x128xi1>, vector<136x128xf32>
    %convert_element_type3A_446 = arith.truncf %select_n3A_445 : vector<136x128xf32> to vector<136x128xbf16>
    %slice3A_447 = vector.extract_strided_slice %convert_element_type3A_77 {offsets = [384, 0], sizes = [128, 128], strides = [1, 1]} : vector<512x128xbf16> to vector<128x128xbf16>
    %dot_general3A_448 = arith.constant dense<0.000000e+00> : vector<136x128xf32>
    %dot_general3A_449 = tpu.matmul %convert_element_type3A_446, %slice3A_447, %dot_general3A_448 {dimension_numbers = #tpu.dot_dimension_numbers<[1], [0], [0], [1], [0, 0, 1, 1], [], []>, transpose_lhs_hint = false} : vector<136x128xbf16>, vector<128x128xbf16>, vector<136x128xf32> -> vector<136x128xf32>
    %slice3A_450 = vector.extract_strided_slice %convert_element_type3A_80 {offsets = [384, 0], sizes = [128, 128], strides = [1, 1]} : vector<512x128xbf16> to vector<128x128xbf16>
    %dot_general3A_451 = arith.constant dense<0.000000e+00> : vector<136x128xf32>
    %dot_general3A_452 = tpu.matmul %convert_element_type3A_446, %slice3A_450, %dot_general3A_451 {dimension_numbers = #tpu.dot_dimension_numbers<[1], [0], [0], [1], [0, 0, 1, 1], [], []>, transpose_lhs_hint = false} : vector<136x128xbf16>, vector<128x128xbf16>, vector<136x128xf32> -> vector<136x128xf32>
    %add3A_453 = arith.addf %dot_general3A_449, %dot_general3A_452 : vector<136x128xf32>
    %get3A_454 = arith.index_cast %mul3A_429 : i32 to index
    %get3A_455 = arith.constant 0 : index
    %get3A_456 = vector.load %arg11[%get3A_454, %get3A_455] : memref<10144x128xf32, #tpu.memory_space<vmem>>, vector<136x128xf32>
    %add3A_457 = arith.addf %get3A_456, %add3A_453 : vector<136x128xf32>
    %swap3A_458 = arith.index_cast %mul3A_429 : i32 to index
    %swap3A_459 = arith.constant 0 : index
    %swap3A_460 = vector.load %arg11[%swap3A_458, %swap3A_459] : memref<10144x128xf32, #tpu.memory_space<vmem>>, vector<136x128xf32>
    tpu.vector_store %arg11[%swap3A_458, %swap3A_459], %add3A_457 {strides = array<i32>} : memref<10144x128xf32, #tpu.memory_space<vmem>>, vector<136x128xf32>,
    %get3A_461 = arith.constant 0 : index
    %get3A_462 = arith.constant 0 : index
    %get3A_463 = arith.constant 384 : index
    %get3A_464 = vector.load %arg3[%get3A_461, %get3A_462, %get3A_463] : memref<1x1x512xi32, #tpu.memory_space<vmem>>, vector<1x1x128xi32>
    %get3A_465 = vector.shape_cast %get3A_464 : vector<1x1x128xi32> to vector<128xi32>
    %broadcast_in_dim3A_466 = vector.shape_cast %get3A_465 : vector<128xi32> to vector<1x128xi32>
    %jit3A_467 = arith.constant -1 : i32
    %broadcast_in_dim3A_468 = vector.shape_cast %broadcast_in_dim3A_466 : vector<1x128xi32> to vector<1x128xi32>
    %broadcast_in_dim3A_469 = vector.broadcast %broadcast_in_dim3A_468 : vector<1x128xi32> to vector<136x128xi32>
    %broadcast_in_dim3A_470 = vector.broadcast %jit3A_467 : i32 to vector<136x128xi32>
    %select_n3A_471 = arith.select %eq3A_440, %broadcast_in_dim3A_469, %broadcast_in_dim3A_470 : vector<136x128xi1>, vector<136x128xi32>
    %reduce_max3A_472 = arith.constant dense<-2147483648> : vector<136xi32>
    %reduce_max3A_473 = vector.multi_reduction <maxsi>, %select_n3A_471, %reduce_max3A_472 [1] : vector<136x128xi32> to vector<136xi32>
    %broadcast_in_dim3A_474 = vector.shape_cast %reduce_max3A_473 : vector<136xi32> to vector<136x1xi32>
    %broadcast_in_dim3A_475 = vector.shape_cast %broadcast_in_dim3A_474 : vector<136x1xi32> to vector<136x1xi32>
    %broadcast_in_dim3A_476 = vector.broadcast %broadcast_in_dim3A_475 : vector<136x1xi32> to vector<136x128xi32>
    %sub3A_477 = arith.subi %shift_right_arithmetic3A_401, %mul3A_429 : i32
    %gt3A_478 = vector.broadcast %sub3A_477 : i32 to vector<136x128xi32>
    %gt3A_479 = arith.cmpi sgt, %iota3A_437, %gt3A_478 : vector<136x128xi32>
    %eq3A_480 = vector.broadcast %sub3A_477 : i32 to vector<136x128xi32>
    %eq3A_481 = arith.cmpi eq, %iota3A_437, %eq3A_480 : vector<136x128xi32>
    %eq3A_482 = arith.constant 1 : i32
    %eq3A_483 = arith.cmpi eq, %and3A_403, %eq3A_482 : i32
    %and3A_484 = vector.broadcast %eq3A_483 : i1 to vector<136x128xi1>
    %and3A_485 = arith.andi %eq3A_481, %and3A_484 : vector<136x128xi1>
    %or3A_486 = arith.ori %gt3A_479, %and3A_485 : vector<136x128xi1>
    %add3A_487 = arith.constant 1 : i32
    %add3A_488 = vector.broadcast %add3A_487 : i32 to vector<136x128xi32>
    %add3A_489 = arith.addi %broadcast_in_dim3A_476, %add3A_488 : vector<136x128xi32>
    %max3A_490 = arith.constant 0 : i32
    %max3A_491 = vector.broadcast %max3A_490 : i32 to vector<136x128xi32>
    %max3A_492 = arith.maxsi %add3A_489, %max3A_491 : vector<136x128xi32>
    %jit3A_493 = arith.constant 0 : i32
    %broadcast_in_dim3A_494 = vector.broadcast %jit3A_493 : i32 to vector<136x128xi32>
    %select_n3A_495 = arith.select %or3A_486, %max3A_492, %broadcast_in_dim3A_494 : vector<136x128xi1>, vector<136x128xi32>
    %get3A_496 = arith.index_cast %mul3A_429 : i32 to index
    %get3A_497 = arith.constant 0 : index
    %get3A_498 = vector.load %arg12[%get3A_496, %get3A_497] : memref<10144x128xi32, #tpu.memory_space<vmem>>, vector<136x128xi32>
    %add3A_499 = arith.addi %get3A_498, %select_n3A_495 : vector<136x128xi32>
    %swap3A_500 = arith.index_cast %mul3A_429 : i32 to index
    %swap3A_501 = arith.constant 0 : index
    %swap3A_502 = vector.load %arg12[%swap3A_500, %swap3A_501] : memref<10144x128xi32, #tpu.memory_space<vmem>>, vector<136x128xi32>
    tpu.vector_store %arg12[%swap3A_500, %swap3A_501], %add3A_499 {strides = array<i32>} : memref<10144x128xi32, #tpu.memory_space<vmem>>, vector<136x128xi32>,
    return
  }
  func.func @transform_0(%arg0: i32, %arg1: memref<2500xi32, #tpu.memory_space<smem>>) -> (i32, i32, i32) {
    %c0_i32 = arith.constant 0 : i32
    %c0_i32_0 = arith.constant 0 : i32
    %c0_i32_1 = arith.constant 0 : i32
    return %arg0, %c0_i32, %c0_i32_0 : i32, i32, i32
  }
  func.func @transform_1(%arg0: i32, %arg1: memref<2500xi32, #tpu.memory_space<smem>>) -> (i32, i32, i32) {
    %c0_i32 = arith.constant 0 : i32
    %c0_i32_0 = arith.constant 0 : i32
    %c0_i32_1 = arith.constant 0 : i32
    return %arg0, %c0_i32, %c0_i32_0 : i32, i32, i32
  }
  func.func @transform_2(%arg0: i32, %arg1: memref<2500xi32, #tpu.memory_space<smem>>) -> (i32, i32) {
    %c0_i32 = arith.constant 0 : i32
    %c0_i32_0 = arith.constant 0 : i32
    return %arg0, %c0_i32 : i32, i32
  }
  func.func @transform_3(%arg0: i32, %arg1: memref<2500xi32, #tpu.memory_space<smem>>) -> (i32, i32) {
    %c0_i32 = arith.constant 0 : i32
    %c0_i32_0 = arith.constant 0 : i32
    %c0_i32_1 = arith.constant 0 : i32
    return %c0_i32, %c0_i32_0 : i32, i32
  }
  func.func @transform_4(%arg0: i32, %arg1: memref<2500xi32, #tpu.memory_space<smem>>) -> (i32, i32) {
    %c0_i32 = arith.constant 0 : i32
    %c0_i32_0 = arith.constant 0 : i32
    %c0_i32_1 = arith.constant 0 : i32
    return %c0_i32, %c0_i32_0 : i32, i32
  }
  func.func @transform_5(%arg0: i32, %arg1: memref<2500xi32, #tpu.memory_space<smem>>) -> (i32, i32) {
    %c0_i32 = arith.constant 0 : i32
    %c0_i32_0 = arith.constant 0 : i32
    %c0_i32_1 = arith.constant 0 : i32
    return %c0_i32, %c0_i32_0 : i32, i32
  }
  func.func @transform_6(%arg0: i32, %arg1: memref<2500xi32, #tpu.memory_space<smem>>) -> (i32, i32) {
    %c0_i32 = arith.constant 0 : i32
    %c0_i32_0 = arith.constant 0 : i32
    %c0_i32_1 = arith.constant 0 : i32
    return %c0_i32, %c0_i32_0 : i32, i32
  }
  func.func @transform_7(%arg0: i32, %arg1: memref<2500xi32, #tpu.memory_space<smem>>) -> (i32, i32) {
    %c0_i32 = arith.constant 0 : i32
    %c0_i32_0 = arith.constant 0 : i32
    %c0_i32_1 = arith.constant 0 : i32
    return %c0_i32, %c0_i32_0 : i32, i32
  }
  func.func @transform_8(%arg0: i32, %arg1: memref<2500xi32, #tpu.memory_space<smem>>) -> (i32, i32) {
    %c0_i32 = arith.constant 0 : i32
    %c0_i32_0 = arith.constant 0 : i32
    %c0_i32_1 = arith.constant 0 : i32
    return %c0_i32, %c0_i32_0 : i32, i32
  }
  func.func @transform_9(%arg0: i32, %arg1: memref<2500xi32, #tpu.memory_space<smem>>) -> (i32, i32) {
    %c0_i32 = arith.constant 0 : i32
    %c0_i32_0 = arith.constant 0 : i32
    %c0_i32_1 = arith.constant 0 : i32
    return %c0_i32, %c0_i32_0 : i32, i32
  }
  func.func @transform_10(%arg0: i32, %arg1: memref<2500xi32, #tpu.memory_space<smem>>) -> (i32, i32) {
    %c0_i32 = arith.constant 0 : i32
    %c0_i32_0 = arith.constant 0 : i32
    %c0_i32_1 = arith.constant 0 : i32
    return %c0_i32, %c0_i32_0 : i32, i32
  }
}

</mosaic_0001>

<sc_bundles>
// kernel: kernel.4.cloned.1.call-start
scs
__scs_entry_jumppad:
0x0: {  	(pc) =	sbr.rel $0x88, $3  }
0x1: {  	(tag) =	ssettag $0x0;
	lr =	simm.s32 $0x1  }
0x2: {  	[smem:$0x3F9B] =	sst lr;
	_ =	strace $0xD0000000  }
0x3: {  	_ = 	snop  }
0x4: {  	_ = 	snop  }
0x5: {  	_ = 	snop  }
0x6: {  	_ = 	snop  }
0x7: {  	_ = 	snop  }
__scs_overlays_trampoline_lowered:
0x8: {  	[smem:$0x3FAA] =	sst s0  }
0x9: {  	[smem:$0x3FAB] =	sst s1  }
0xa: {  	[smem:$0x3FAC] =	sst s2  }
0xb: {  	[smem:$0x3FAD] =	sst s3  }
0xc: {  	[smem:$0x3FAE] =	sst s4  }
0xd: {  	[smem:$0x3FAF] =	sst s5  }
0xe: {  	[smem:$0x3FB0] =	sst s6  }
0xf: {  	[smem:$0x3FB1] =	sst s7  }
0x10: {  	[smem:$0x3FB2] =	sst s8  }
0x11: {  	[smem:$0x3FB3] =	sst s9;
	s0 =	simm.s32 @!p0 $0x0  }
0x12: {  	s1 =	sld [smem:$0x3F99];
	s0 =	simm.s32 @p0 $0x1  }
0x13: {  	[smem:$0x3FB4] =	sst s0;
	s0 =	simm.s32 @!p1 $0x0  }
0x14: {  	s2 =	sld [smem:$0x3F98];
	s0 =	simm.s32 @p1 $0x1  }
0x15: {  	[smem:$0x3FB5] =	sst s0;
	s0 =	simm.s32 @!p2 $0x0  }
0x16: {  	s3 =	sld [smem:$0x3FDB];
	s0 =	simm.s32 @p2 $0x1  }
0x17: {  	s4 =	simm.s32 $0x1BF5;
	[smem:$0x3FB7] =	sst s0  }
0x18: {  	s0 =	sld [smem:$0x3F9A];
	_ =	swait.ge [sflag:s4], $0x0  }
0x19: {  	s7 =	sld [smem:$0x3F9B]  }
0x1a: {  	s8 =	sadd.s32 $0xFFFFE003, lr  }
0x1b: {  	s9 =	sadd.s32 $0xFFFFFEF7, lr;
	s5 =	simm.s32 $0xFFFFFFFF;
	p2 =	slt.u32 s8, $0xFFFFF086  }
0x1c: {  	p1 =	slt.u32 s9, $0xF7A;
	s5 =	simm.s32 @!p2 $0x0  }
0x1d: {  	s5 =	simm.s32 @p1 $0x1;
	p0 =	seq.s32 s7, s2  }
0x1e: {  	s7 =	smul.u32 @!p0 $0xF7A, s2;
	p2 =	seq.s32 @!p0 s5, $0x0  }
0x1f: {  	s9 =	smul.u32 $0xF7A, s1;
	s8 =	simm.s32 @!p0 $0x1BF5;
	p2 =	por !p2, p0  }
0x20: {  	[sflag:s8] =	ssyncset.s32 @!p0 $0xFFFFF086;
	s6 =	sadd.s32 @!p0 s3, s7;
	s7 =	simm.s32 @!p0 $0x108  }
0x21: {  	s3 =	sadd.s32 s3, s9;
	s6 =	sadd.s32 @!p0 $0x88, s6;
	s7 =	simm.s32 @p2 $0x1082  }
0x22: {  	[simem:s7], [sflag:s8] =	dma.local @!p0 [hbm:s6], $0xF7A  }
0x23: {  	s9 =	sor.u32 $0xD0000000, s2;
	s6 =	simm.s32 $0x108;
	_ =	swait.ge @!p0 [sflag:s8], $0x0  }
0x24: {  	s3 =	sadd.s32 $0x88, s3;
	s6 =	simm.s32 @!p1 $0x1082;
	[sflag:s4] =	ssyncset.s32 $0xFFFFF086  }
0x25: {  	[simem:s6], [sflag:s4] =	dma.local [hbm:s3], $0xF7A  }
0x26: {  	[smem:$0x3F9B] =	sst s1;
	(tag) =	ssettag s2;
	_ =	strace s9  }
0x27: {  	s1 =	sld [smem:$0x3FAB]  }
0x28: {  	s2 =	sld [smem:$0x3FAC]  }
0x29: {  	s4 =	sld [smem:$0x3FAE]  }
0x2a: {  	p0 =	seq.s32 s5, $0x0;
	s5 =	sld [smem:$0x3FAF]  }
0x2b: {  	s6 =	sld [smem:$0x3FB0]  }
0x2c: {  	s7 =	sld [smem:$0x3FB1]  }
0x2d: {  	s3 =	simm.s32 $0x108;
	s8 =	sld [smem:$0x3FB2]  }
0x2e: {  	s3 =	simm.s32 @!p0 $0x1082;
	s9 =	sld [smem:$0x3FB3]  }
0x2f: {  	lr =	sadd.s32 s0, s3;
	s0 =	sld [smem:$0x3FAA]  }
0x30: {  	s3 =	sld [smem:$0x3FAD]  }
0x31: {  	[smem:$0x3FB6] =	sst s10  }
0x32: {  	s10 =	sld [smem:$0x3FB4];
	_ =	sdelay $0x3  }
0x33: {  	p0 =	seq.s32 s10, $0x1;
	s10 =	sld [smem:$0x3FB6];
	_ =	sdelay $0x3  }
0x34: {  	[smem:$0x3FB6] =	sst s10  }
0x35: {  	s10 =	sld [smem:$0x3FB5];
	_ =	sdelay $0x3  }
0x36: {  	p1 =	seq.s32 s10, $0x1;
	s10 =	sld [smem:$0x3FB6];
	_ =	sdelay $0x3  }
0x37: {  	[smem:$0x3FB6] =	sst s10  }
0x38: {  	s10 =	sld [smem:$0x3FB7]  }
0x39: {  	_ = 	snop;
	(pc) =	sbr.ind lr, $3  }
0x3a: {  	_ = 	snop  }
0x3b: {  	_ = 	snop  }
0x3c: {  	p2 =	seq.s32 s10, $0x1;
	s10 =	sld [smem:$0x3FB6]  }
0x3d: {  	_ =	shalt  }
0x3e: {  	_ =	shalt  }
0x3f: {  	_ =	shalt  }
0x40: {  	_ =	shalt  }
0x41: {  	_ =	shalt  }
0x42: {  	_ =	shalt  }
0x43: {  	_ =	shalt  }
0x44: {  	_ =	shalt  }
0x45: {  	_ =	shalt  }
0x46: {  	_ =	shalt  }
0x47: {  	_ =	shalt  }
0x48: {  	_ =	shalt  }
0x49: {  	_ =	shalt  }
0x4a: {  	_ =	shalt  }
0x4b: {  	_ =	shalt  }
0x4c: {  	_ =	shalt  }
0x4d: {  	_ =	shalt  }
0x4e: {  	_ =	shalt  }
0x4f: {  	_ =	shalt  }
0x50: {  	_ =	shalt  }
0x51: {  	_ =	shalt  }
0x52: {  	_ =	shalt  }
0x53: {  	_ =	shalt  }
0x54: {  	_ =	shalt  }
0x55: {  	_ =	shalt  }
0x56: {  	_ =	shalt  }
0x57: {  	_ =	shalt  }
0x58: {  	_ =	shalt  }
0x59: {  	_ =	shalt  }
0x5a: {  	_ =	shalt  }
0x5b: {  	_ =	shalt  }
0x5c: {  	_ =	shalt  }
0x5d: {  	_ =	shalt  }
0x5e: {  	_ =	shalt  }
0x5f: {  	_ =	shalt  }
0x60: {  	_ =	shalt  }
0x61: {  	_ =	shalt  }
0x62: {  	_ =	shalt  }
0x63: {  	_ =	shalt  }
0x64: {  	_ =	shalt  }
0x65: {  	_ =	shalt  }
0x66: {  	_ =	shalt  }
0x67: {  	_ =	shalt  }
0x68: {  	_ =	shalt  }
0x69: {  	_ =	shalt  }
0x6a: {  	_ =	shalt  }
0x6b: {  	_ =	shalt  }
0x6c: {  	_ =	shalt  }
0x6d: {  	_ =	shalt  }
0x6e: {  	_ =	shalt  }
0x6f: {  	_ =	shalt  }
0x70: {  	_ =	shalt  }
0x71: {  	_ =	shalt  }
0x72: {  	_ =	shalt  }
0x73: {  	_ =	shalt  }
0x74: {  	_ =	shalt  }
0x75: {  	_ =	shalt  }
0x76: {  	_ =	shalt  }
0x77: {  	_ =	shalt  }
0x78: {  	_ =	shalt  }
0x79: {  	_ =	shalt  }
0x7a: {  	_ =	shalt  }
0x7b: {  	_ =	shalt  }
0x7c: {  	_ =	shalt  }
0x7d: {  	_ =	shalt  }
0x7e: {  	_ =	shalt  }
0x7f: {  	_ =	shalt  }
0x80: {  	_ =	shalt  }
0x81: {  	_ =	shalt  }
0x82: {  	_ =	shalt  }
0x83: {  	_ =	shalt  }
0x84: {  	_ =	shalt  }
0x85: {  	_ =	shalt  }
0x86: {  	_ =	shalt  }
0x87: {  	_ =	shalt  }
.Lfunc_end0:
.L_simem_size_0:
called_computation_lowered:
.L_overlay_start_0:
0x88: {  	s2 =	sld [smem:$0x3FD9]  }
0x89: {  	s3 =	sld [smem:$0x3FFE];
	_ =	sdelay $0x1  }
0x8a: {  	s1 =	srdreg.scid  }
0x8b: {  	s0 =	sand.u32 $0x1, s1  }
0x8c: {  	s17 =	sshll.u32 s0, $0xA;
	s2 =	sadd.s32 s3, s2  }
0x8d: {  	s2 =	sadd.s32 s2, s17  }
0x8e: {  	[smem:$0x3FC2] =	sst s2  }
0x8f: {  	_ = 	snop  }
0x90: {  	s2 =	sld [smem:$0x3FD0];
	(tm) =	ssettm $0x1  }
0x91: {  	s18 =	sld [smem:$0x3FFB];
	_ =	sdelay $0x3  }
0x92: {  	_ =	strace s18  }
0x93: {  	s3 =	sld [smem:$0x3FFC];
	_ =	sdelay $0x3  }
0x94: {  	_ =	strace s3  }
0x95: {  	s3 =	sld [smem:$0x3FFD];
	_ =	sdelay $0x3  }
0x96: {  	_ =	strace s3  }
0x97: {  	_ =	strace $0x8FFFFFFF  }
0x98: {  	s19 =	sld [smem:$0x3FDB];
	_ =	sdelay $0x1  }
0x99: {  	s4 =	simm.s32 $_scs_section_size  }
0x9a: {  	s5 =	simm.s32 $_size__tile_overlayer_lowered;
	s6 =	simm.s32 $_tile_overlayer_lowered  }
0x9b: {  	s22 =	simm.s32 $0x1BFF;
	s21 =	sshll.u32 s6, $0x1;
	s3 =	sadd.s32 s4, s19  }
0x9c: {  	s7 =	simm.s32 $0x0;
	s20 =	sshll.u32 s5, $0x1;
	s5 =	sadd.s32 s21, s3  }
0x9d: {  	[timem:s7], [sflag:s22] =	dma.local [hbm:s5], s20  }
0x9e: {  	_ =	swait.ge [sflag:s22], s20  }
0x9f: {  	s4 =	ssub.s32 $0x0, s20;
	[sflag:s22] =	ssyncset.done $0x0  }
0xa0: {  	[sflag:s22] =	ssyncadd.s32 s4;
	_ =	sdelay $0x1  }
0xa1: {  	s23 =	simm.s32 $0x1B8B  }
0xa2: {  	_ =	swait.ge [sflag:s23], $0x1  }
0xa3: {  	[sflag:s23] =	ssyncset.done $0x0  }
0xa4: {  	s25 =	simm.s32 $0x1B8E;
	s24 =	sld [smem:$0x3FFE];
	[sflag:s23] =	ssyncadd.s32 $0xFFFFFFFF  }
0xa5: {  	s26 =	simm.s32 $execute0_lowered;
	[smem:$0x3FD2] =	sst s25  }
0xa6: {  	s5 =	sshll.u32 s26, $0x1;
	_ =	strace $0x80000046;
	[dreg:$0x1] =	wrdreg $0xFFFFFFFF  }
0xa7: {  	s28 =	simm.s32 $_size_execute0_lowered;
	s3 =	sadd.s32 s3, s5;
	[dreg:$0x0] =	wrdreg $0x0  }
0xa8: {  	s5 =	sshll.u32 s28, $0x1;
	[dreg:$0x2] =	wrdreg s3  }
0xa9: {  	[dreg:$0x3] =	wrdreg s5  }
0xaa: {  	[dreg:$0x4] =	wrdreg $0xC0  }
0xab: {  	_ =	task [dreg:s7], $0x5FFFF  }
0xac: {  	[dreg:$0x1] =	wrdreg $0xFFFFFFFF  }
0xad: {  	[dreg:$0x0] =	wrdreg $0x60  }
0xae: {  	[dreg:$0x2] =	wrdreg s24  }
0xaf: {  	[dreg:$0x3] =	wrdreg s2  }
0xb0: {  	[dreg:$0x4] =	wrdreg $0x9  }
0xb1: {  	_ =	task.clear_ibuf [dreg:s7], $0x5FFFF;
	_ =	strace $0x90000046  }
0xb2: {  	s29 =	simm.s32 $0x9;
	_ =	strace $0x80000048  }
0xb3: {  	_ =	swait.ge [sflag:s29], $0x1  }
0xb4: {  	[sflag:s29] =	ssyncadd.s32 $0xFFFFFFFF  }
0xb5: {  	_ =	strace $0x90000048  }
0xb6: {  	_ =	sfence  }
0xb7: {  	s30 =	sld [smem:$0x0];
	_ =	sdelay $0x2  }
0xb8: {  	s31 =	sshll.u32 s1, $0xD;
	s1 =	sshrl.u32 s1, $0x2  }
0xb9: {  	s3 =	sand.u32 $0x4000, s31;
	s1 =	sadd.s32 s1, s30  }
0xba: {  	s0 =	sor.u32 s3, s0;
	s1 =	sshll.u32 s1, $0x11  }
0xbb: {  	s0 =	sor.u32 s1, s0  }
0xbc: {  	s0 =	sadd.s32 $0x8F2B, s0  }
0xbd: {  	[sflag:s0] =	ssyncadd.remote.s32 $0x1  }
0xbe: {  	_ =	sfence.sel $0xFFFF  }
0xbf: {  	[dreg:$0x0] =	wrdreg $0xFFFFFFFF;
	(pc) =	sbr.abs _section_cstart, $3  }
0xc0: {  	[dreg:$0x1] =	wrdreg $0xFFFFFFFF  }
0xc1: {  	_ =	task.clear_ibuf [dreg:s7], $0x2FFFF;
	_ =	strace $0x9FFFFFFF  }
0xc2: {  	(tm) =	ssettm $0x7FFFFFFF  }
0xc3: {  	_ =	shalt  }
tec
execute0_lowered:
.L_overlay_start_1:
0x0: {  	(tag) =	ssettag $0x1  }
0x1: {  	s2 =	rddreg [dreg:$0x0]  }
0x2: {  	s1 =	srdreg.scid;
	s0 =	stileid.u32  }
0x3: {  	s4 =	rddreg [dreg:$0x1];
	s12 =	sand.u32 $0x1, s1;
	s5 =	sshll.u32 s0, $0x1  }
0x4: {  	s3 =	simm.s32 $0x0;
	s1 =	rddreg [dreg:$0x2];
	s13 =	sor.u32 s12, s5  }
0x5: {  	[smem:$0x7FF] =	sst s3;
	s5 =	sshll.u32 s13, $0x6  }
0x6: {  	_ =	strace $0x80000047;
	s5 =	sadd.s32 s4, s5;
	s4 =	simm.s32 $0x2  }
0x7: {  	[tilespmem:s3], [sflag:$0x2] =	stream.linear.gather [hbm4b:s5+s3], $0x180, $0x38;
	[tilespmem:$0xC200] =	vst v63  }
0x8: {  	_ =	swait.ge [sflag:s4], $0x180  }
0x9: {  	[sflag:s4] =	ssyncset.done $0x0  }
0xa: {  	s6 =	simm.s32 $0x80;
	s7 =	simm.s32 $0x200;
	[sflag:s4] =	ssyncadd.s32 $0xFFFFFE80  }
0xb: {  	[tilespmem:s7], [sflag:$0x1] =	stream.indirect.gather [hbm4b:s2+s6], $0x80, s3, s6, $0xb8;
	[tilespmem:$0xC200] =	vst v63  }
0xc: {  	s8 =	simm.s32 $0x4200  }
0xd: {  	[tilespmem:s8], [sflag:$0x1] =	stream.indirect.gather [hbm4b:s2+s6], $0x80, s6, s6, $0xb8;
	[tilespmem:$0xC200] =	vst v63  }
0xe: {  	s9 =	simm.s32 $0x100;
	s10 =	simm.s32 $0x8200;
	s11 =	simm.s32 $0x1  }
0xf: {  	[tilespmem:s10], [sflag:$0x1] =	stream.indirect.gather [hbm4b:s2+s6], $0x80, s9, s6, $0xb8;
	[tilespmem:$0xC200] =	vst v63  }
0x10: {  	_ =	swait.ge [sflag:s11], $0x4000  }
0x11: {  	[sflag:s11] =	ssyncset.done $0x0  }
0x12: {  	s12 =	ssub.s32 $0x2, s12;
	[sflag:s11] =	ssyncadd.s32 $0xFFFFC000  }
0x13: {  	s14 =	sshrl.u32 s12, $0x1;
	_ =	swait.ge [sflag:s11], $0x4000  }
0x14: {  	s14 =	ssub.s32 s12, s14;
	[sflag:s11] =	ssyncset.done $0x0  }
0x15: {  	s13 =	smul.u32 $0x1800, s13;
	s31 =	smax.u32 s14, $0x1;
	[sflag:s11] =	ssyncadd.s32 $0xFFFFC000  }
0x16: {  	p0 =	sne.s32 s31, $0x1;
	_ =	swait.ge [sflag:s11], $0x4000  }
.Ltmp0:
0x17: {  	s30 =	sadd.s32 s13, s2;
	[sflag:s11] =	ssyncset.done $0x0;
	(pc) =	sbr.rel @!p0 .LBB2_2-.Ltmp0, $4  }
0x18: {  	s12 =	sadd.s32 $0x27A00, s30;
	[sflag:s11] =	ssyncadd.s32 $0xFFFFC000  }
0x19: {  	[hbm4b:s12+s3] =	stream.linear.scatter [tilespmem:s7], [sflag:$0x2], $0xC000, $0x38;
	[tilespmem:$0xC200] =	vst v63  }
0x1a: {  	_ =	swait.ge [sflag:s4], $0xC000  }
0x1b: {  	s13 =	sadd.s32 $0xFFFFFFFF, s31;
	[sflag:s4] =	ssyncset.done $0x0  }
.LBB2_1:
0x1c: {  	p0 =	sne.s32 s13, $0x1;
	s13 =	sadd.s32 $0xFFFFFFFF, s13;
	[sflag:s4] =	ssyncadd.s32 $0xFFFF4000  }
0x1d: {  	[tilespmem:s3], [sflag:$0x2] =	stream.linear.gather [hbm4b:s5+s3], $0x180, $0x38;
	[tilespmem:$0xC200] =	vst v63  }
0x1e: {  	_ =	swait.ge [sflag:s4], $0x180  }
0x1f: {  	[sflag:s4] =	ssyncset.done $0x0  }
0x20: {  	[sflag:s4] =	ssyncadd.s32 $0xFFFFFE80  }
0x21: {  	[tilespmem:s7], [sflag:$0x1] =	stream.indirect.gather [hbm4b:s2+s6], $0x80, s3, s6, $0xb8;
	[tilespmem:$0xC200] =	vst v63  }
0x22: {  	_ = 	snop  }
0x23: {  	[tilespmem:s8], [sflag:$0x1] =	stream.indirect.gather [hbm4b:s2+s6], $0x80, s6, s6, $0xb8;
	[tilespmem:$0xC200] =	vst v63  }
0x24: {  	_ = 	snop  }
0x25: {  	[tilespmem:s10], [sflag:$0x1] =	stream.indirect.gather [hbm4b:s2+s6], $0x80, s9, s6, $0xb8;
	[tilespmem:$0xC200] =	vst v63  }
0x26: {  	_ =	swait.ge [sflag:s11], $0x4000  }
0x27: {  	[sflag:s11] =	ssyncset.done $0x0  }
0x28: {  	[sflag:s11] =	ssyncadd.s32 $0xFFFFC000  }
0x29: {  	_ =	swait.ge [sflag:s11], $0x4000  }
0x2a: {  	[sflag:s11] =	ssyncset.done $0x0  }
0x2b: {  	[sflag:s11] =	ssyncadd.s32 $0xFFFFC000  }
0x2c: {  	_ =	swait.ge [sflag:s11], $0x4000  }
.Ltmp1:
0x2d: {  	[sflag:s11] =	ssyncset.done $0x0;
	(pc) =	sbr.rel @p0 .LBB2_1-.Ltmp1, $4  }
0x2e: {  	[sflag:s11] =	ssyncadd.s32 $0xFFFFC000  }
0x2f: {  	[hbm4b:s12+s3] =	stream.linear.scatter [tilespmem:s7], [sflag:$0x2], $0xC000, $0x38;
	[tilespmem:$0xC200] =	vst v63  }
0x30: {  	_ =	swait.ge [sflag:s4], $0xC000  }
0x31: {  	[sflag:s4] =	ssyncset.done $0x0  }
.LBB2_2:
0x32: {  	[sflag:s4] =	ssyncadd.s32 $0xFFFF4000  }
0x33: {  	_ =	sfence.sel $0x180000  }
0x34: {  	[bflag:$0x0] =	sbarrier.arrive $0xFFFF  }
0x35: {  	p0 =	sne.s32 s0, $0x0;
	_ =	strace $0x90000047  }
0x36: {  	s0 =	sadd.s32 @!p0 $0x100000, s1;
	[bflag:$0x2] =	sbarrier.arrive $0xFFFF  }
0x37: {  	[sflag:s0] =	ssyncadd.tile.s32 @!p0 $0x1;
	_ =	shalt  }
.Lfunc_end2:
_tile_overlayer_lowered:
.L_overlay_start_2:
0x38: {  	(tag) =	ssettag $0x2  }
0x39: {  	s0 =	rddreg [dreg:$0x0];
	s2 =	stileid.u32  }
0x3a: {  	s1 =	rddreg [dreg:$0x1];
	p0 =	sne.s32 s2, $0x0  }
0x3b: {  	s3 =	rddreg [dreg:$0x2];
	[bflag:$0x3] =	sbarrier.arrive $0xFFFF;
	s2 =	simm.s32 @!p0 $0x1C02  }
0x3c: {  	[timem:s3], [sflag:s2] =	dma.local @!p0 [hbm:s0], s1  }
0x3d: {  	s0 =	simm.s32 @!p0 $0x2  }
0x3e: {  	_ =	swait.ge @!p0 [sflag:s0], s1  }
0x3f: {  	s1 =	ssub.s32 @!p0 $0x0, s1;
	[sflag:s0] =	ssyncset.done @!p0 $0x0  }
0x40: {  	[sflag:s0] =	ssyncadd.s32 @!p0 s1  }
0x41: {  	[bflag:$0x3] =	sbarrier.arrive $0xFFFF  }
0x42: {  	_ =	shalt  }

</sc_bundles>
